<compile_context>
chip_gen: v7x
topology: tpu7x:2x2x1
jax: 0.10.2.dev20260603
libtpu: 0.0.44.dev20260713+nightly
codegen_flags: <defaults>
</compile_context>

<pallas_src>
import functools

import jax
import jax.numpy as jnp
from jax import lax
from jax.experimental import pallas as pl
from jax.experimental.pallas import tpu as pltpu
from jax.experimental.pallas import tpu_sc as plsc

N = 10000
E = 320000
D = 128
NC = 2
NS = 16
NW = NC * NS
CHUNK = 128
NCH = (E + NW * CHUNK - 1) // (NW * CHUNK)
EPW = NCH * CHUNK
EPAD = EPW * NW
NP = 10240
NACC = 10240
GR = NACC - 1
RB = 512
GRID = NP // RB
SPAN = NACC // NS

def _sc_deg_body(col_hbm, deg_out, col_v, hist_v):
    c = lax.axis_index("c")
    s = lax.axis_index("s")
    wid = s * NC + c
    zero16 = jnp.zeros((16,), jnp.float32)
    ones16 = jnp.full((16,), 1.0, jnp.float32)

    @pl.loop(0, NP // 16)
    def _zero(i):
        hist_v[pl.ds(i * 16, 16)] = zero16

    pltpu.sync_copy(col_hbm.at[pl.ds(wid * EPW, EPW)], col_v)

    @pl.loop(0, EPW // 16)
    def _hist(i):
        idx = col_v[pl.ds(i * 16, 16)]
        plsc.addupdate_scatter(hist_v, [idx], ones16)

    pltpu.sync_copy(hist_v, deg_out.at[pl.ds(wid * NP, NP)])


def _sc_agg_body(
    y_hbm, row_hbm, col_hbm, out_hbm, ri_v, ci_v, rows_v, acc, sem
):
    c = lax.axis_index("c")
    s = lax.axis_index("s")
    zero16 = jnp.zeros((16,), jnp.float32)

    @pl.loop(0, CHUNK * (D // 16))
    def _zero(i):
        rows_v[i // (D // 16), pl.ds((i % (D // 16)) * 16, 16)] = zero16

    for j in range(SPAN // CHUNK):
        pltpu.sync_copy(rows_v, acc.at[pl.ds(s * SPAN + j * CHUNK, CHUNK)])
    plsc.subcore_barrier()

    wid = s * NC + c

    @pl.loop(0, EPW // CHUNK)
    def _edges(i):
        base = wid * EPW + i * CHUNK
        pltpu.sync_copy(row_hbm.at[pl.ds(base, CHUNK)], ri_v)
        pltpu.sync_copy(col_hbm.at[pl.ds(base, CHUNK)], ci_v)
        pltpu.async_copy(y_hbm.at[ri_v], rows_v, sem).wait()
        pltpu.sync_copy(rows_v, acc.at[ci_v], add=True)

    plsc.subcore_barrier()
    for j in range(SPAN // CHUNK):
        start = s * SPAN + j * CHUNK
        pltpu.sync_copy(acc.at[pl.ds(start, CHUNK)], rows_v)
        pltpu.sync_copy(rows_v, out_hbm.at[pl.ds(c * NP + start, CHUNK)])


@functools.lru_cache(maxsize=1)
def _sc_kernels():
    mesh = plsc.VectorSubcoreMesh(
        core_axis_name="c", subcore_axis_name="s",
        num_cores=NC, num_subcores=NS,
    )
    params = pltpu.CompilerParams(needs_layout_passes=False)
    sc_deg = pl.kernel(
        _sc_deg_body,
        out_type=jax.ShapeDtypeStruct((NW * NP,), jnp.float32),
        mesh=mesh,
        scratch_types=[
            pltpu.VMEM((EPW,), jnp.int32),
            pltpu.VMEM((NP,), jnp.float32),
        ],
        compiler_params=params,
    )
    sc_agg = pl.kernel(
        _sc_agg_body,
        out_type=jax.ShapeDtypeStruct((NC * NP, D), jnp.float32),
        mesh=mesh,
        scratch_types=[
            pltpu.VMEM((CHUNK,), jnp.int32),
            pltpu.VMEM((CHUNK,), jnp.int32),
            pltpu.VMEM((CHUNK, D), jnp.float32),
            pltpu.VMEM_SHARED((NACC, D), jnp.float32),
            pltpu.SemaphoreType.DMA,
        ],
        compiler_params=params,
    )
    return sc_deg, sc_agg


def _tc1_body(deg_ref, x_ref, w1_ref, y1_ref, dis_ref):
    deg = jnp.sum(deg_ref[...], axis=0) + 1.0
    dis = lax.rsqrt(deg)[:, None]
    xw = jnp.dot(x_ref[...], w1_ref[...], preferred_element_type=jnp.float32)
    y1_ref[...] = xw * dis
    dis_ref[...] = jnp.broadcast_to(dis, (RB, D))


def _tc2_body(agg_ref, y1_ref, dis_ref, w2_ref, b1_ref, g_ref, bt_ref, y2_ref):
    a = agg_ref[0] + agg_ref[1] + y1_ref[...]
    dis = dis_ref[...]
    h = dis * a + b1_ref[...]
    h = h * g_ref[...] + bt_ref[...]
    h = jnp.maximum(h, 0.0)
    y2_ref[...] = dis * jnp.dot(
        h, w2_ref[...], preferred_element_type=jnp.float32
    )


def _tc3_body(agg_ref, y2_ref, dis_ref, b2_ref, out_ref):
    out_ref[...] = (
        dis_ref[...] * (agg_ref[0] + agg_ref[1] + y2_ref[...]) + b2_ref[...]
    )


def _row_spec():
    return pl.BlockSpec((RB, D), lambda j: (j, 0))


def _full_spec():
    return pl.BlockSpec((D, D), lambda j: (0, 0))


def _vec_spec():
    return pl.BlockSpec((1, D), lambda j: (0, 0))


def _agg_spec():
    return pl.BlockSpec((NC, RB, D), lambda j: (0, j, 0))


_tc1 = pl.pallas_call(
    _tc1_body,
    grid=(GRID,),
    in_specs=[
        pl.BlockSpec((NW, RB), lambda j: (0, j)),
        _row_spec(),
        _full_spec(),
    ],
    out_specs=[_row_spec(), _row_spec()],
    out_shape=[
        jax.ShapeDtypeStruct((NP, D), jnp.float32),
        jax.ShapeDtypeStruct((NP, D), jnp.float32),
    ],
)

_tc2 = pl.pallas_call(
    _tc2_body,
    grid=(GRID,),
    in_specs=[
        _agg_spec(),
        _row_spec(),
        _row_spec(),
        _full_spec(),
        _vec_spec(),
        _vec_spec(),
        _vec_spec(),
    ],
    out_specs=_row_spec(),
    out_shape=jax.ShapeDtypeStruct((NP, D), jnp.float32),
)

_tc3 = pl.pallas_call(
    _tc3_body,
    grid=(GRID,),
    in_specs=[_agg_spec(), _row_spec(), _row_spec(), _vec_spec()],
    out_specs=_row_spec(),
    out_shape=jax.ShapeDtypeStruct((NP, D), jnp.float32),
)


@jax.jit
def kernel(x, clique_edge_index, W1, b1, gamma, beta, W2, b2):
    pad_e = EPAD - E
    row = jnp.concatenate(
        [clique_edge_index[0], jnp.zeros((pad_e,), jnp.int32)]
    )
    col = jnp.concatenate(
        [clique_edge_index[1], jnp.full((pad_e,), GR, jnp.int32)]
    )
    x_pad = jnp.zeros((NP, D), x.dtype).at[:N].set(x)

    sc_deg, sc_agg = _sc_kernels()
    deg_parts = sc_deg(col).reshape(NW, NP)
    y1, dis2 = _tc1(deg_parts, x_pad, W1)
    agg1 = sc_agg(y1, row, col).reshape(NC, NP, D)
    sg = (gamma / jnp.sqrt(1.0 + 1e-5)).reshape(1, D)
    y2 = _tc2(agg1, y1, dis2, W2, b1.reshape(1, D), sg, beta.reshape(1, D))
    agg2 = sc_agg(y2, row, col).reshape(NC, NP, D)
    out = _tc3(agg2, y2, dis2, b2.reshape(1, D))
    return out[:N]

# --- scband reference (transcript-rebuilt; emitter-appended) ---
"""Pipeline reference for scband-cegcn-70909910057321 (READ-ONLY COPY).

The authoritative reference and input builder live on the scoring server;
editing this copy changes nothing except your own understanding.
"""

import jax, jax.numpy as jnp
import numpy as np

N = 10000
E = 320000
D = 128
H = 128
T = 128


def setup_inputs(seed: int = 0):
    key = jax.random.key(seed)
    k1, k2, k3, k4 = jax.random.split(key, 4)
    x = jax.random.normal(k1, (N, D), dtype=jnp.float32)
    clique_edge_index = jax.random.randint(k2, (2, E), 0, N, dtype=jnp.int32)
    # GCNConv layer 1 params (glorot-style init for weight, zero bias)
    W1 = jax.random.normal(k3, (D, H), dtype=jnp.float32) * (1.0 / np.sqrt(D))
    b1 = jnp.zeros((H,), dtype=jnp.float32)
    # BatchNorm1d params (eval mode: running_mean=0, running_var=1)
    gamma = jnp.ones((H,), dtype=jnp.float32)
    beta = jnp.zeros((H,), dtype=jnp.float32)
    # GCNConv layer 2 params
    W2 = jax.random.normal(k4, (H, T), dtype=jnp.float32) * (1.0 / np.sqrt(H))
    b2 = jnp.zeros((T,), dtype=jnp.float32)
    return {"x": x, "clique_edge_index": clique_edge_index, "W1": W1, "b1": b1, "gamma": gamma, "beta": beta, "W2": W2, "b2": b2}


def gcn_conv(x, row, col, norm, W, b, num_nodes):
    # x' = D^{-1/2} (A + I) D^{-1/2} (x W) + b   (PyG GCNConv with self-loops)
    xw = x @ W
    msg = jnp.take(xw, row, axis=0) * norm[:, None]
    out = jnp.zeros((num_nodes, xw.shape[1]), dtype=xw.dtype).at[col].add(msg)
    return out + b


def reference(x, clique_edge_index, W1, b1, gamma, beta, W2, b2):
    num_nodes = x.shape[0]
    loop = jnp.arange(num_nodes, dtype=clique_edge_index.dtype)
    row = jnp.concatenate([clique_edge_index[0], loop])
    col = jnp.concatenate([clique_edge_index[1], loop])
    # symmetric normalization with self-loops (gcn_norm)
    deg = jnp.zeros((num_nodes,), dtype=jnp.float32).at[col].add(jnp.ones_like(row, dtype=jnp.float32))
    deg_inv_sqrt = jnp.where(deg > 0, deg ** -0.5, 0.0)
    norm = deg_inv_sqrt[row] * deg_inv_sqrt[col]
    # layer 1
    h = gcn_conv(x, row, col, norm, W1, b1, num_nodes)
    # BatchNorm1d in eval mode: (h - running_mean) / sqrt(running_var + eps) * gamma + beta
    h = h / jnp.sqrt(1.0 + 1e-5) * gamma + beta
    h = jax.nn.relu(h)
    # dropout is identity in eval mode
    # layer 2 (output)
    out = gcn_conv(h, row, col, norm, W2, b2, num_nodes)
    return out

if __name__ == "__main__":
    import jax
    _d = setup_inputs()
    print(jax.jit(kernel)(*tuple(_d.values())))

</pallas_src>

<mosaic_0001>
#map = affine_map<(d0, d1) -> (0, 0)>
#map1 = affine_map<(d0, d1) -> (0)>
module attributes {stable_mosaic.version = 14 : i64} {
  func.func @_sc_agg_body(%arg0: i32, %arg1: i32, %arg2: memref<10240x128xf32, #tpu.memory_space<hbm>>, %arg3: memref<323584xi32, #tpu.memory_space<hbm>>, %arg4: memref<323584xi32, #tpu.memory_space<hbm>>, %arg5: memref<20480x128xf32, #tpu.memory_space<hbm>>, %arg6: memref<128xi32, #tpu.memory_space<vmem>>, %arg7: memref<128xi32, #tpu.memory_space<vmem>>, %arg8: memref<128x128xf32, #tpu.memory_space<vmem>>, %arg9: memref<10240x128xf32, #tpu.memory_space<vmem_shared>>, %arg10: memref<!tpu.dma_semaphore, #tpu.memory_space<semaphore_mem>>) attributes {dimension_semantics = [#tpu.dimension_semantics<core_parallel>, #tpu.dimension_semantics<subcore_parallel>], iteration_bounds = array<i64: 2, 16>, scalar_prefetch = 0 : i64, scratch_operands = 5 : i64, tpu.core_type = #tpu.core_type<sc_vector_subcore>, window_params = [{transform_indices = #map}, {transform_indices = #map1}, {transform_indices = #map1}, {transform_indices = #map}]} {
    %broadcast_in_dim3A = arith.constant 0.000000e+00 : f32
    %broadcast_in_dim3A_0 = vector.broadcast %broadcast_in_dim3A : f32 to vector<16xf32>
    %scan3A = arith.constant 0 : i32
    %scan3A_1 = arith.constant 1024 : i32
    %scan3A_2 = arith.addi %scan3A, %scan3A_1 : i32
    %scan3A_3 = arith.constant 1 : i32
    scf.for %scan3A_67 = %scan3A to %scan3A_2 step %scan3A_3  : i32 {
      %mul3A_68 = arith.constant 1 : i32
      %mul3A_69 = arith.muli %scan3A_67, %mul3A_68 : i32
      %add3A_70 = arith.constant 0 : i32
      %add3A_71 = arith.addi %add3A_70, %mul3A_69 : i32
      %jit3A = arith.constant 8 : i32
      %div3A = arith.divsi %add3A_71, %jit3A : i32
      %sign3A = arith.constant 0 : i32
      %sign3A_72 = arith.cmpi sgt, %add3A_71, %sign3A : i32
      %sign3A_73 = arith.extui %sign3A_72 : i1 to i32
      %sign3A_74 = arith.constant 0 : i32
      %sign3A_75 = arith.cmpi slt, %add3A_71, %sign3A_74 : i32
      %sign3A_76 = arith.extui %sign3A_75 : i1 to i32
      %sign3A_77 = arith.subi %sign3A_73, %sign3A_76 : i32
      %sign3A_78 = arith.constant 0 : i32
      %sign3A_79 = arith.cmpi sgt, %jit3A, %sign3A_78 : i32
      %sign3A_80 = arith.extui %sign3A_79 : i1 to i32
      %sign3A_81 = arith.constant 0 : i32
      %sign3A_82 = arith.cmpi slt, %jit3A, %sign3A_81 : i32
      %sign3A_83 = arith.extui %sign3A_82 : i1 to i32
      %sign3A_84 = arith.subi %sign3A_80, %sign3A_83 : i32
      %ne3A = arith.cmpi ne, %sign3A_77, %sign3A_84 : i32
      %rem3A = arith.remsi %add3A_71, %jit3A : i32
      %ne3A_85 = arith.constant 0 : i32
      %ne3A_86 = arith.cmpi ne, %rem3A, %ne3A_85 : i32
      %and3A = arith.andi %ne3A, %ne3A_86 : i1
      %sub3A = arith.constant 1 : i32
      %sub3A_87 = arith.subi %div3A, %sub3A : i32
      %select_n3A = arith.select %and3A, %sub3A_87, %div3A : i32
      %jit3A_88 = arith.constant 8 : i32
      %eq3A = arith.constant 0 : i32
      %eq3A_89 = arith.cmpi eq, %jit3A_88, %eq3A : i32
      %jit3A_90 = arith.constant 1 : i32
      %select_n3A_91 = arith.select %eq3A_89, %jit3A_90, %jit3A_88 : i32
      %rem3A_92 = arith.remsi %add3A_71, %select_n3A_91 : i32
      %ne3A_93 = arith.constant 0 : i32
      %ne3A_94 = arith.cmpi ne, %rem3A_92, %ne3A_93 : i32
      %lt3A = arith.constant 0 : i32
      %lt3A_95 = arith.cmpi slt, %rem3A_92, %lt3A : i32
      %lt3A_96 = arith.constant 0 : i32
      %lt3A_97 = arith.cmpi slt, %select_n3A_91, %lt3A_96 : i32
      %ne3A_98 = arith.xori %lt3A_95, %lt3A_97 : i1
      %and3A_99 = arith.andi %ne3A_98, %ne3A_94 : i1
      %add3A_100 = arith.addi %rem3A_92, %select_n3A_91 : i32
      %select_n3A_101 = arith.select %and3A_99, %add3A_100, %rem3A_92 : i32
      %mul3A_102 = arith.constant 16 : i32
      %mul3A_103 = arith.muli %select_n3A_101, %mul3A_102 : i32
      %swap3A = arith.index_cast %select_n3A : i32 to index
      %swap3A_104 = arith.index_cast %mul3A_103 : i32 to index
      %swap3A_105 = tpu.vector_load %arg8[%swap3A, %swap3A_104] {strides = array<i32>} : memref<128x128xf32, #tpu.memory_space<vmem>>, vector<16xf32>,
      tpu.vector_store %arg8[%swap3A, %swap3A_104], %broadcast_in_dim3A_0 {strides = array<i32>} : memref<128x128xf32, #tpu.memory_space<vmem>>, vector<16xf32>,
    }
    %scan3A_4 = arith.constant 1024 : i32
    %mul3A = arith.constant 640 : i32
    %mul3A_5 = arith.muli %arg1, %mul3A : i32
    %add3A = arith.constant 0 : i32
    %add3A_6 = arith.addi %mul3A_5, %add3A : i32
    "tpu.region"() ({
      %run_scoped3A = tpu.sem_alloc : memref<!tpu.dma_semaphore, #tpu.memory_space<semaphore_mem>>
      %dma_start3A = arith.constant 0 : i32
      %dma_start3A_67 = tpu.memref_slice %arg9[%add3A_6, %dma_start3A] : memref<10240x128xf32, #tpu.memory_space<vmem_shared>> -> memref<128x128xf32, #tpu.memory_space<vmem_shared>>
      %dma_start3A_68 = arith.constant 0 : i32
      %dma_start3A_69 = tpu.memref_slice %arg9[%add3A_6, %dma_start3A_68] : memref<10240x128xf32, #tpu.memory_space<vmem_shared>> -> memref<128x128xf32, #tpu.memory_space<vmem_shared>>
      tpu.enqueue_dma source(%arg8 : memref<128x128xf32, #tpu.memory_space<vmem>>) target(%dma_start3A_69 : memref<128x128xf32, #tpu.memory_space<vmem_shared>>) target_semaphore(%run_scoped3A : memref<!tpu.dma_semaphore, #tpu.memory_space<semaphore_mem>>)
      %dma_wait3A = arith.constant 0 : i32
      %dma_wait3A_70 = tpu.memref_slice %arg9[%add3A_6, %dma_wait3A] : memref<10240x128xf32, #tpu.memory_space<vmem_shared>> -> memref<128x128xf32, #tpu.memory_space<vmem_shared>>
      %dma_wait3A_71 = arith.constant 0 : i32
      %dma_wait3A_72 = tpu.memref_slice %arg9[%add3A_6, %dma_wait3A_71] : memref<10240x128xf32, #tpu.memory_space<vmem_shared>> -> memref<128x128xf32, #tpu.memory_space<vmem_shared>>
      tpu.wait_dma2 semaphore(%run_scoped3A : memref<!tpu.dma_semaphore, #tpu.memory_space<semaphore_mem>>) src(%arg8 : memref<128x128xf32, #tpu.memory_space<vmem>>) dst(%dma_wait3A_72 : memref<128x128xf32, #tpu.memory_space<vmem_shared>>)
      tpu.yield
    }) : () -> ()
    %mul3A_7 = arith.constant 640 : i32
    %mul3A_8 = arith.muli %arg1, %mul3A_7 : i32
    %add3A_9 = arith.constant 128 : i32
    %add3A_10 = arith.addi %mul3A_8, %add3A_9 : i32
    "tpu.region"() ({
      %run_scoped3A = tpu.sem_alloc : memref<!tpu.dma_semaphore, #tpu.memory_space<semaphore_mem>>
      %dma_start3A = arith.constant 0 : i32
      %dma_start3A_67 = tpu.memref_slice %arg9[%add3A_10, %dma_start3A] : memref<10240x128xf32, #tpu.memory_space<vmem_shared>> -> memref<128x128xf32, #tpu.memory_space<vmem_shared>>
      %dma_start3A_68 = arith.constant 0 : i32
      %dma_start3A_69 = tpu.memref_slice %arg9[%add3A_10, %dma_start3A_68] : memref<10240x128xf32, #tpu.memory_space<vmem_shared>> -> memref<128x128xf32, #tpu.memory_space<vmem_shared>>
      tpu.enqueue_dma source(%arg8 : memref<128x128xf32, #tpu.memory_space<vmem>>) target(%dma_start3A_69 : memref<128x128xf32, #tpu.memory_space<vmem_shared>>) target_semaphore(%run_scoped3A : memref<!tpu.dma_semaphore, #tpu.memory_space<semaphore_mem>>)
      %dma_wait3A = arith.constant 0 : i32
      %dma_wait3A_70 = tpu.memref_slice %arg9[%add3A_10, %dma_wait3A] : memref<10240x128xf32, #tpu.memory_space<vmem_shared>> -> memref<128x128xf32, #tpu.memory_space<vmem_shared>>
      %dma_wait3A_71 = arith.constant 0 : i32
      %dma_wait3A_72 = tpu.memref_slice %arg9[%add3A_10, %dma_wait3A_71] : memref<10240x128xf32, #tpu.memory_space<vmem_shared>> -> memref<128x128xf32, #tpu.memory_space<vmem_shared>>
      tpu.wait_dma2 semaphore(%run_scoped3A : memref<!tpu.dma_semaphore, #tpu.memory_space<semaphore_mem>>) src(%arg8 : memref<128x128xf32, #tpu.memory_space<vmem>>) dst(%dma_wait3A_72 : memref<128x128xf32, #tpu.memory_space<vmem_shared>>)
      tpu.yield
    }) : () -> ()
    %mul3A_11 = arith.constant 640 : i32
    %mul3A_12 = arith.muli %arg1, %mul3A_11 : i32
    %add3A_13 = arith.constant 256 : i32
    %add3A_14 = arith.addi %mul3A_12, %add3A_13 : i32
    "tpu.region"() ({
      %run_scoped3A = tpu.sem_alloc : memref<!tpu.dma_semaphore, #tpu.memory_space<semaphore_mem>>
      %dma_start3A = arith.constant 0 : i32
      %dma_start3A_67 = tpu.memref_slice %arg9[%add3A_14, %dma_start3A] : memref<10240x128xf32, #tpu.memory_space<vmem_shared>> -> memref<128x128xf32, #tpu.memory_space<vmem_shared>>
      %dma_start3A_68 = arith.constant 0 : i32
      %dma_start3A_69 = tpu.memref_slice %arg9[%add3A_14, %dma_start3A_68] : memref<10240x128xf32, #tpu.memory_space<vmem_shared>> -> memref<128x128xf32, #tpu.memory_space<vmem_shared>>
      tpu.enqueue_dma source(%arg8 : memref<128x128xf32, #tpu.memory_space<vmem>>) target(%dma_start3A_69 : memref<128x128xf32, #tpu.memory_space<vmem_shared>>) target_semaphore(%run_scoped3A : memref<!tpu.dma_semaphore, #tpu.memory_space<semaphore_mem>>)
      %dma_wait3A = arith.constant 0 : i32
      %dma_wait3A_70 = tpu.memref_slice %arg9[%add3A_14, %dma_wait3A] : memref<10240x128xf32, #tpu.memory_space<vmem_shared>> -> memref<128x128xf32, #tpu.memory_space<vmem_shared>>
      %dma_wait3A_71 = arith.constant 0 : i32
      %dma_wait3A_72 = tpu.memref_slice %arg9[%add3A_14, %dma_wait3A_71] : memref<10240x128xf32, #tpu.memory_space<vmem_shared>> -> memref<128x128xf32, #tpu.memory_space<vmem_shared>>
      tpu.wait_dma2 semaphore(%run_scoped3A : memref<!tpu.dma_semaphore, #tpu.memory_space<semaphore_mem>>) src(%arg8 : memref<128x128xf32, #tpu.memory_space<vmem>>) dst(%dma_wait3A_72 : memref<128x128xf32, #tpu.memory_space<vmem_shared>>)
      tpu.yield
    }) : () -> ()
    %mul3A_15 = arith.constant 640 : i32
    %mul3A_16 = arith.muli %arg1, %mul3A_15 : i32
    %add3A_17 = arith.constant 384 : i32
    %add3A_18 = arith.addi %mul3A_16, %add3A_17 : i32
    "tpu.region"() ({
      %run_scoped3A = tpu.sem_alloc : memref<!tpu.dma_semaphore, #tpu.memory_space<semaphore_mem>>
      %dma_start3A = arith.constant 0 : i32
      %dma_start3A_67 = tpu.memref_slice %arg9[%add3A_18, %dma_start3A] : memref<10240x128xf32, #tpu.memory_space<vmem_shared>> -> memref<128x128xf32, #tpu.memory_space<vmem_shared>>
      %dma_start3A_68 = arith.constant 0 : i32
      %dma_start3A_69 = tpu.memref_slice %arg9[%add3A_18, %dma_start3A_68] : memref<10240x128xf32, #tpu.memory_space<vmem_shared>> -> memref<128x128xf32, #tpu.memory_space<vmem_shared>>
      tpu.enqueue_dma source(%arg8 : memref<128x128xf32, #tpu.memory_space<vmem>>) target(%dma_start3A_69 : memref<128x128xf32, #tpu.memory_space<vmem_shared>>) target_semaphore(%run_scoped3A : memref<!tpu.dma_semaphore, #tpu.memory_space<semaphore_mem>>)
      %dma_wait3A = arith.constant 0 : i32
      %dma_wait3A_70 = tpu.memref_slice %arg9[%add3A_18, %dma_wait3A] : memref<10240x128xf32, #tpu.memory_space<vmem_shared>> -> memref<128x128xf32, #tpu.memory_space<vmem_shared>>
      %dma_wait3A_71 = arith.constant 0 : i32
      %dma_wait3A_72 = tpu.memref_slice %arg9[%add3A_18, %dma_wait3A_71] : memref<10240x128xf32, #tpu.memory_space<vmem_shared>> -> memref<128x128xf32, #tpu.memory_space<vmem_shared>>
      tpu.wait_dma2 semaphore(%run_scoped3A : memref<!tpu.dma_semaphore, #tpu.memory_space<semaphore_mem>>) src(%arg8 : memref<128x128xf32, #tpu.memory_space<vmem>>) dst(%dma_wait3A_72 : memref<128x128xf32, #tpu.memory_space<vmem_shared>>)
      tpu.yield
    }) : () -> ()
    %mul3A_19 = arith.constant 640 : i32
    %mul3A_20 = arith.muli %arg1, %mul3A_19 : i32
    %add3A_21 = arith.constant 512 : i32
    %add3A_22 = arith.addi %mul3A_20, %add3A_21 : i32
    "tpu.region"() ({
      %run_scoped3A = tpu.sem_alloc : memref<!tpu.dma_semaphore, #tpu.memory_space<semaphore_mem>>
      %dma_start3A = arith.constant 0 : i32
      %dma_start3A_67 = tpu.memref_slice %arg9[%add3A_22, %dma_start3A] : memref<10240x128xf32, #tpu.memory_space<vmem_shared>> -> memref<128x128xf32, #tpu.memory_space<vmem_shared>>
      %dma_start3A_68 = arith.constant 0 : i32
      %dma_start3A_69 = tpu.memref_slice %arg9[%add3A_22, %dma_start3A_68] : memref<10240x128xf32, #tpu.memory_space<vmem_shared>> -> memref<128x128xf32, #tpu.memory_space<vmem_shared>>
      tpu.enqueue_dma source(%arg8 : memref<128x128xf32, #tpu.memory_space<vmem>>) target(%dma_start3A_69 : memref<128x128xf32, #tpu.memory_space<vmem_shared>>) target_semaphore(%run_scoped3A : memref<!tpu.dma_semaphore, #tpu.memory_space<semaphore_mem>>)
      %dma_wait3A = arith.constant 0 : i32
      %dma_wait3A_70 = tpu.memref_slice %arg9[%add3A_22, %dma_wait3A] : memref<10240x128xf32, #tpu.memory_space<vmem_shared>> -> memref<128x128xf32, #tpu.memory_space<vmem_shared>>
      %dma_wait3A_71 = arith.constant 0 : i32
      %dma_wait3A_72 = tpu.memref_slice %arg9[%add3A_22, %dma_wait3A_71] : memref<10240x128xf32, #tpu.memory_space<vmem_shared>> -> memref<128x128xf32, #tpu.memory_space<vmem_shared>>
      tpu.wait_dma2 semaphore(%run_scoped3A : memref<!tpu.dma_semaphore, #tpu.memory_space<semaphore_mem>>) src(%arg8 : memref<128x128xf32, #tpu.memory_space<vmem>>) dst(%dma_wait3A_72 : memref<128x128xf32, #tpu.memory_space<vmem_shared>>)
      tpu.yield
    }) : () -> ()
    %barrier3A = arith.constant 0 : index
    tpu.barrier barrier_id(%barrier3A)
    %mul3A_23 = arith.constant 2 : i32
    %mul3A_24 = arith.muli %arg1, %mul3A_23 : i32
    %add3A_25 = arith.addi %mul3A_24, %arg0 : i32
    %scan3A_26 = arith.constant 0 : i32
    %scan3A_27 = arith.constant 79 : i32
    %scan3A_28 = arith.addi %scan3A_26, %scan3A_27 : i32
    %scan3A_29 = arith.constant 1 : i32
    scf.for %scan3A_67 = %scan3A_26 to %scan3A_28 step %scan3A_29  : i32 {
      %mul3A_68 = arith.constant 1 : i32
      %mul3A_69 = arith.muli %scan3A_67, %mul3A_68 : i32
      %add3A_70 = arith.constant 0 : i32
      %add3A_71 = arith.addi %add3A_70, %mul3A_69 : i32
      %mul3A_72 = arith.constant 10112 : i32
      %mul3A_73 = arith.muli %add3A_25, %mul3A_72 : i32
      %mul3A_74 = arith.constant 128 : i32
      %mul3A_75 = arith.muli %add3A_71, %mul3A_74 : i32
      %add3A_76 = arith.addi %mul3A_73, %mul3A_75 : i32
      "tpu.region"() ({
        %run_scoped3A = tpu.sem_alloc : memref<!tpu.dma_semaphore, #tpu.memory_space<semaphore_mem>>
        %dma_start3A_81 = tpu.memref_slice %arg3[%add3A_76] : memref<323584xi32, #tpu.memory_space<hbm>> -> memref<128xi32, #tpu.memory_space<hbm>>
        %dma_start3A_82 = tpu.memref_slice %arg3[%add3A_76] : memref<323584xi32, #tpu.memory_space<hbm>> -> memref<128xi32, #tpu.memory_space<hbm>>
        tpu.enqueue_dma source(%dma_start3A_82 : memref<128xi32, #tpu.memory_space<hbm>>) target(%arg6 : memref<128xi32, #tpu.memory_space<vmem>>) target_semaphore(%run_scoped3A : memref<!tpu.dma_semaphore, #tpu.memory_space<semaphore_mem>>)
        %dma_wait3A_83 = tpu.memref_slice %arg3[%add3A_76] : memref<323584xi32, #tpu.memory_space<hbm>> -> memref<128xi32, #tpu.memory_space<hbm>>
        %dma_wait3A_84 = tpu.memref_slice %arg3[%add3A_76] : memref<323584xi32, #tpu.memory_space<hbm>> -> memref<128xi32, #tpu.memory_space<hbm>>
        tpu.wait_dma2 semaphore(%run_scoped3A : memref<!tpu.dma_semaphore, #tpu.memory_space<semaphore_mem>>) src(%dma_wait3A_84 : memref<128xi32, #tpu.memory_space<hbm>>) dst(%arg6 : memref<128xi32, #tpu.memory_space<vmem>>)
        tpu.yield
      }) : () -> ()
      "tpu.region"() ({
        %run_scoped3A = tpu.sem_alloc : memref<!tpu.dma_semaphore, #tpu.memory_space<semaphore_mem>>
        %dma_start3A_81 = tpu.memref_slice %arg4[%add3A_76] : memref<323584xi32, #tpu.memory_space<hbm>> -> memref<128xi32, #tpu.memory_space<hbm>>
        %dma_start3A_82 = tpu.memref_slice %arg4[%add3A_76] : memref<323584xi32, #tpu.memory_space<hbm>> -> memref<128xi32, #tpu.memory_space<hbm>>
        tpu.enqueue_dma source(%dma_start3A_82 : memref<128xi32, #tpu.memory_space<hbm>>) target(%arg7 : memref<128xi32, #tpu.memory_space<vmem>>) target_semaphore(%run_scoped3A : memref<!tpu.dma_semaphore, #tpu.memory_space<semaphore_mem>>)
        %dma_wait3A_83 = tpu.memref_slice %arg4[%add3A_76] : memref<323584xi32, #tpu.memory_space<hbm>> -> memref<128xi32, #tpu.memory_space<hbm>>
        %dma_wait3A_84 = tpu.memref_slice %arg4[%add3A_76] : memref<323584xi32, #tpu.memory_space<hbm>> -> memref<128xi32, #tpu.memory_space<hbm>>
        tpu.wait_dma2 semaphore(%run_scoped3A : memref<!tpu.dma_semaphore, #tpu.memory_space<semaphore_mem>>) src(%dma_wait3A_84 : memref<128xi32, #tpu.memory_space<hbm>>) dst(%arg7 : memref<128xi32, #tpu.memory_space<vmem>>)
        tpu.yield
      }) : () -> ()
      %dma_start3A = arith.constant 0 : i32
      %dma_start3A_77 = arith.constant 0 : i32
      %dma_start3A_78 = tpu.memref_slice %arg2[%dma_start3A, %dma_start3A_77] : memref<10240x128xf32, #tpu.memory_space<hbm>> -> memref<10240x128xf32, #tpu.memory_space<hbm>>
      tpu.enqueue_indirect_dma source(%dma_start3A_78 : memref<10240x128xf32, #tpu.memory_space<hbm>>) target(%arg8 : memref<128x128xf32, #tpu.memory_space<vmem>>) offsets(%arg6 : memref<128xi32, #tpu.memory_space<vmem>>) semaphore(%arg10 : memref<!tpu.dma_semaphore, #tpu.memory_space<semaphore_mem>>)
      %dma_wait3A = arith.constant 0 : i32
      %dma_wait3A_79 = arith.constant 0 : i32
      %dma_wait3A_80 = tpu.memref_slice %arg2[%dma_wait3A, %dma_wait3A_79] : memref<10240x128xf32, #tpu.memory_space<hbm>> -> memref<10240x128xf32, #tpu.memory_space<hbm>>
      tpu.wait_indirect_dma semaphore(%arg10 : memref<!tpu.dma_semaphore, #tpu.memory_space<semaphore_mem>>) src(%dma_wait3A_80 : memref<10240x128xf32, #tpu.memory_space<hbm>>) dst(%arg8 : memref<128x128xf32, #tpu.memory_space<vmem>>)
      "tpu.region"() ({
        %run_scoped3A = tpu.sem_alloc : memref<!tpu.dma_semaphore, #tpu.memory_space<semaphore_mem>>
        %dma_start3A_81 = arith.constant 0 : i32
        %dma_start3A_82 = arith.constant 0 : i32
        %dma_start3A_83 = tpu.memref_slice %arg9[%dma_start3A_81, %dma_start3A_82] : memref<10240x128xf32, #tpu.memory_space<vmem_shared>> -> memref<10240x128xf32, #tpu.memory_space<vmem_shared>>
        tpu.enqueue_indirect_dma source(%arg8 : memref<128x128xf32, #tpu.memory_space<vmem>>) target(%dma_start3A_83 : memref<10240x128xf32, #tpu.memory_space<vmem_shared>>) offsets(%arg7 : memref<128xi32, #tpu.memory_space<vmem>>) semaphore(%run_scoped3A : memref<!tpu.dma_semaphore, #tpu.memory_space<semaphore_mem>>) {add = true}
        %dma_wait3A_84 = arith.constant 0 : i32
        %dma_wait3A_85 = arith.constant 0 : i32
        %dma_wait3A_86 = tpu.memref_slice %arg9[%dma_wait3A_84, %dma_wait3A_85] : memref<10240x128xf32, #tpu.memory_space<vmem_shared>> -> memref<10240x128xf32, #tpu.memory_space<vmem_shared>>
        tpu.wait_indirect_dma semaphore(%run_scoped3A : memref<!tpu.dma_semaphore, #tpu.memory_space<semaphore_mem>>) src(%arg8 : memref<128x128xf32, #tpu.memory_space<vmem>>) dst(%dma_wait3A_86 : memref<10240x128xf32, #tpu.memory_space<vmem_shared>>)
        tpu.yield
      }) : () -> ()
    }
    %scan3A_30 = arith.constant 79 : i32
    %barrier3A_31 = arith.constant 0 : index
    tpu.barrier barrier_id(%barrier3A_31)
    %mul3A_32 = arith.constant 640 : i32
    %mul3A_33 = arith.muli %arg1, %mul3A_32 : i32
    %add3A_34 = arith.constant 0 : i32
    %add3A_35 = arith.addi %mul3A_33, %add3A_34 : i32
    "tpu.region"() ({
      %run_scoped3A = tpu.sem_alloc : memref<!tpu.dma_semaphore, #tpu.memory_space<semaphore_mem>>
      %dma_start3A = arith.constant 0 : i32
      %dma_start3A_67 = tpu.memref_slice %arg9[%add3A_35, %dma_start3A] : memref<10240x128xf32, #tpu.memory_space<vmem_shared>> -> memref<128x128xf32, #tpu.memory_space<vmem_shared>>
      %dma_start3A_68 = arith.constant 0 : i32
      %dma_start3A_69 = tpu.memref_slice %arg9[%add3A_35, %dma_start3A_68] : memref<10240x128xf32, #tpu.memory_space<vmem_shared>> -> memref<128x128xf32, #tpu.memory_space<vmem_shared>>
      tpu.enqueue_dma source(%dma_start3A_69 : memref<128x128xf32, #tpu.memory_space<vmem_shared>>) target(%arg8 : memref<128x128xf32, #tpu.memory_space<vmem>>) target_semaphore(%run_scoped3A : memref<!tpu.dma_semaphore, #tpu.memory_space<semaphore_mem>>)
      %dma_wait3A = arith.constant 0 : i32
      %dma_wait3A_70 = tpu.memref_slice %arg9[%add3A_35, %dma_wait3A] : memref<10240x128xf32, #tpu.memory_space<vmem_shared>> -> memref<128x128xf32, #tpu.memory_space<vmem_shared>>
      %dma_wait3A_71 = arith.constant 0 : i32
      %dma_wait3A_72 = tpu.memref_slice %arg9[%add3A_35, %dma_wait3A_71] : memref<10240x128xf32, #tpu.memory_space<vmem_shared>> -> memref<128x128xf32, #tpu.memory_space<vmem_shared>>
      tpu.wait_dma2 semaphore(%run_scoped3A : memref<!tpu.dma_semaphore, #tpu.memory_space<semaphore_mem>>) src(%dma_wait3A_72 : memref<128x128xf32, #tpu.memory_space<vmem_shared>>) dst(%arg8 : memref<128x128xf32, #tpu.memory_space<vmem>>)
      tpu.yield
    }) : () -> ()
    %mul3A_36 = arith.constant 10240 : i32
    %mul3A_37 = arith.muli %arg0, %mul3A_36 : i32
    %add3A_38 = arith.addi %mul3A_37, %add3A_35 : i32
    "tpu.region"() ({
      %run_scoped3A = tpu.sem_alloc : memref<!tpu.dma_semaphore, #tpu.memory_space<semaphore_mem>>
      %dma_start3A = arith.constant 0 : i32
      %dma_start3A_67 = tpu.memref_slice %arg5[%add3A_38, %dma_start3A] : memref<20480x128xf32, #tpu.memory_space<hbm>> -> memref<128x128xf32, #tpu.memory_space<hbm>>
      %dma_start3A_68 = arith.constant 0 : i32
      %dma_start3A_69 = tpu.memref_slice %arg5[%add3A_38, %dma_start3A_68] : memref<20480x128xf32, #tpu.memory_space<hbm>> -> memref<128x128xf32, #tpu.memory_space<hbm>>
      tpu.enqueue_dma source(%arg8 : memref<128x128xf32, #tpu.memory_space<vmem>>) target(%dma_start3A_69 : memref<128x128xf32, #tpu.memory_space<hbm>>) target_semaphore(%run_scoped3A : memref<!tpu.dma_semaphore, #tpu.memory_space<semaphore_mem>>)
      %dma_wait3A = arith.constant 0 : i32
      %dma_wait3A_70 = tpu.memref_slice %arg5[%add3A_38, %dma_wait3A] : memref<20480x128xf32, #tpu.memory_space<hbm>> -> memref<128x128xf32, #tpu.memory_space<hbm>>
      %dma_wait3A_71 = arith.constant 0 : i32
      %dma_wait3A_72 = tpu.memref_slice %arg5[%add3A_38, %dma_wait3A_71] : memref<20480x128xf32, #tpu.memory_space<hbm>> -> memref<128x128xf32, #tpu.memory_space<hbm>>
      tpu.wait_dma2 semaphore(%run_scoped3A : memref<!tpu.dma_semaphore, #tpu.memory_space<semaphore_mem>>) src(%arg8 : memref<128x128xf32, #tpu.memory_space<vmem>>) dst(%dma_wait3A_72 : memref<128x128xf32, #tpu.memory_space<hbm>>)
      tpu.yield
    }) : () -> ()
    %mul3A_39 = arith.constant 640 : i32
    %mul3A_40 = arith.muli %arg1, %mul3A_39 : i32
    %add3A_41 = arith.constant 128 : i32
    %add3A_42 = arith.addi %mul3A_40, %add3A_41 : i32
    "tpu.region"() ({
      %run_scoped3A = tpu.sem_alloc : memref<!tpu.dma_semaphore, #tpu.memory_space<semaphore_mem>>
      %dma_start3A = arith.constant 0 : i32
      %dma_start3A_67 = tpu.memref_slice %arg9[%add3A_42, %dma_start3A] : memref<10240x128xf32, #tpu.memory_space<vmem_shared>> -> memref<128x128xf32, #tpu.memory_space<vmem_shared>>
      %dma_start3A_68 = arith.constant 0 : i32
      %dma_start3A_69 = tpu.memref_slice %arg9[%add3A_42, %dma_start3A_68] : memref<10240x128xf32, #tpu.memory_space<vmem_shared>> -> memref<128x128xf32, #tpu.memory_space<vmem_shared>>
      tpu.enqueue_dma source(%dma_start3A_69 : memref<128x128xf32, #tpu.memory_space<vmem_shared>>) target(%arg8 : memref<128x128xf32, #tpu.memory_space<vmem>>) target_semaphore(%run_scoped3A : memref<!tpu.dma_semaphore, #tpu.memory_space<semaphore_mem>>)
      %dma_wait3A = arith.constant 0 : i32
      %dma_wait3A_70 = tpu.memref_slice %arg9[%add3A_42, %dma_wait3A] : memref<10240x128xf32, #tpu.memory_space<vmem_shared>> -> memref<128x128xf32, #tpu.memory_space<vmem_shared>>
      %dma_wait3A_71 = arith.constant 0 : i32
      %dma_wait3A_72 = tpu.memref_slice %arg9[%add3A_42, %dma_wait3A_71] : memref<10240x128xf32, #tpu.memory_space<vmem_shared>> -> memref<128x128xf32, #tpu.memory_space<vmem_shared>>
      tpu.wait_dma2 semaphore(%run_scoped3A : memref<!tpu.dma_semaphore, #tpu.memory_space<semaphore_mem>>) src(%dma_wait3A_72 : memref<128x128xf32, #tpu.memory_space<vmem_shared>>) dst(%arg8 : memref<128x128xf32, #tpu.memory_space<vmem>>)
      tpu.yield
    }) : () -> ()
    %mul3A_43 = arith.constant 10240 : i32
    %mul3A_44 = arith.muli %arg0, %mul3A_43 : i32
    %add3A_45 = arith.addi %mul3A_44, %add3A_42 : i32
    "tpu.region"() ({
      %run_scoped3A = tpu.sem_alloc : memref<!tpu.dma_semaphore, #tpu.memory_space<semaphore_mem>>
      %dma_start3A = arith.constant 0 : i32
      %dma_start3A_67 = tpu.memref_slice %arg5[%add3A_45, %dma_start3A] : memref<20480x128xf32, #tpu.memory_space<hbm>> -> memref<128x128xf32, #tpu.memory_space<hbm>>
      %dma_start3A_68 = arith.constant 0 : i32
      %dma_start3A_69 = tpu.memref_slice %arg5[%add3A_45, %dma_start3A_68] : memref<20480x128xf32, #tpu.memory_space<hbm>> -> memref<128x128xf32, #tpu.memory_space<hbm>>
      tpu.enqueue_dma source(%arg8 : memref<128x128xf32, #tpu.memory_space<vmem>>) target(%dma_start3A_69 : memref<128x128xf32, #tpu.memory_space<hbm>>) target_semaphore(%run_scoped3A : memref<!tpu.dma_semaphore, #tpu.memory_space<semaphore_mem>>)
      %dma_wait3A = arith.constant 0 : i32
      %dma_wait3A_70 = tpu.memref_slice %arg5[%add3A_45, %dma_wait3A] : memref<20480x128xf32, #tpu.memory_space<hbm>> -> memref<128x128xf32, #tpu.memory_space<hbm>>
      %dma_wait3A_71 = arith.constant 0 : i32
      %dma_wait3A_72 = tpu.memref_slice %arg5[%add3A_45, %dma_wait3A_71] : memref<20480x128xf32, #tpu.memory_space<hbm>> -> memref<128x128xf32, #tpu.memory_space<hbm>>
      tpu.wait_dma2 semaphore(%run_scoped3A : memref<!tpu.dma_semaphore, #tpu.memory_space<semaphore_mem>>) src(%arg8 : memref<128x128xf32, #tpu.memory_space<vmem>>) dst(%dma_wait3A_72 : memref<128x128xf32, #tpu.memory_space<hbm>>)
      tpu.yield
    }) : () -> ()
    %mul3A_46 = arith.constant 640 : i32
    %mul3A_47 = arith.muli %arg1, %mul3A_46 : i32
    %add3A_48 = arith.constant 256 : i32
    %add3A_49 = arith.addi %mul3A_47, %add3A_48 : i32
    "tpu.region"() ({
      %run_scoped3A = tpu.sem_alloc : memref<!tpu.dma_semaphore, #tpu.memory_space<semaphore_mem>>
      %dma_start3A = arith.constant 0 : i32
      %dma_start3A_67 = tpu.memref_slice %arg9[%add3A_49, %dma_start3A] : memref<10240x128xf32, #tpu.memory_space<vmem_shared>> -> memref<128x128xf32, #tpu.memory_space<vmem_shared>>
      %dma_start3A_68 = arith.constant 0 : i32
      %dma_start3A_69 = tpu.memref_slice %arg9[%add3A_49, %dma_start3A_68] : memref<10240x128xf32, #tpu.memory_space<vmem_shared>> -> memref<128x128xf32, #tpu.memory_space<vmem_shared>>
      tpu.enqueue_dma source(%dma_start3A_69 : memref<128x128xf32, #tpu.memory_space<vmem_shared>>) target(%arg8 : memref<128x128xf32, #tpu.memory_space<vmem>>) target_semaphore(%run_scoped3A : memref<!tpu.dma_semaphore, #tpu.memory_space<semaphore_mem>>)
      %dma_wait3A = arith.constant 0 : i32
      %dma_wait3A_70 = tpu.memref_slice %arg9[%add3A_49, %dma_wait3A] : memref<10240x128xf32, #tpu.memory_space<vmem_shared>> -> memref<128x128xf32, #tpu.memory_space<vmem_shared>>
      %dma_wait3A_71 = arith.constant 0 : i32
      %dma_wait3A_72 = tpu.memref_slice %arg9[%add3A_49, %dma_wait3A_71] : memref<10240x128xf32, #tpu.memory_space<vmem_shared>> -> memref<128x128xf32, #tpu.memory_space<vmem_shared>>
      tpu.wait_dma2 semaphore(%run_scoped3A : memref<!tpu.dma_semaphore, #tpu.memory_space<semaphore_mem>>) src(%dma_wait3A_72 : memref<128x128xf32, #tpu.memory_space<vmem_shared>>) dst(%arg8 : memref<128x128xf32, #tpu.memory_space<vmem>>)
      tpu.yield
    }) : () -> ()
    %mul3A_50 = arith.constant 10240 : i32
    %mul3A_51 = arith.muli %arg0, %mul3A_50 : i32
    %add3A_52 = arith.addi %mul3A_51, %add3A_49 : i32
    "tpu.region"() ({
      %run_scoped3A = tpu.sem_alloc : memref<!tpu.dma_semaphore, #tpu.memory_space<semaphore_mem>>
      %dma_start3A = arith.constant 0 : i32
      %dma_start3A_67 = tpu.memref_slice %arg5[%add3A_52, %dma_start3A] : memref<20480x128xf32, #tpu.memory_space<hbm>> -> memref<128x128xf32, #tpu.memory_space<hbm>>
      %dma_start3A_68 = arith.constant 0 : i32
      %dma_start3A_69 = tpu.memref_slice %arg5[%add3A_52, %dma_start3A_68] : memref<20480x128xf32, #tpu.memory_space<hbm>> -> memref<128x128xf32, #tpu.memory_space<hbm>>
      tpu.enqueue_dma source(%arg8 : memref<128x128xf32, #tpu.memory_space<vmem>>) target(%dma_start3A_69 : memref<128x128xf32, #tpu.memory_space<hbm>>) target_semaphore(%run_scoped3A : memref<!tpu.dma_semaphore, #tpu.memory_space<semaphore_mem>>)
      %dma_wait3A = arith.constant 0 : i32
      %dma_wait3A_70 = tpu.memref_slice %arg5[%add3A_52, %dma_wait3A] : memref<20480x128xf32, #tpu.memory_space<hbm>> -> memref<128x128xf32, #tpu.memory_space<hbm>>
      %dma_wait3A_71 = arith.constant 0 : i32
      %dma_wait3A_72 = tpu.memref_slice %arg5[%add3A_52, %dma_wait3A_71] : memref<20480x128xf32, #tpu.memory_space<hbm>> -> memref<128x128xf32, #tpu.memory_space<hbm>>
      tpu.wait_dma2 semaphore(%run_scoped3A : memref<!tpu.dma_semaphore, #tpu.memory_space<semaphore_mem>>) src(%arg8 : memref<128x128xf32, #tpu.memory_space<vmem>>) dst(%dma_wait3A_72 : memref<128x128xf32, #tpu.memory_space<hbm>>)
      tpu.yield
    }) : () -> ()
    %mul3A_53 = arith.constant 640 : i32
    %mul3A_54 = arith.muli %arg1, %mul3A_53 : i32
    %add3A_55 = arith.constant 384 : i32
    %add3A_56 = arith.addi %mul3A_54, %add3A_55 : i32
    "tpu.region"() ({
      %run_scoped3A = tpu.sem_alloc : memref<!tpu.dma_semaphore, #tpu.memory_space<semaphore_mem>>
      %dma_start3A = arith.constant 0 : i32
      %dma_start3A_67 = tpu.memref_slice %arg9[%add3A_56, %dma_start3A] : memref<10240x128xf32, #tpu.memory_space<vmem_shared>> -> memref<128x128xf32, #tpu.memory_space<vmem_shared>>
      %dma_start3A_68 = arith.constant 0 : i32
      %dma_start3A_69 = tpu.memref_slice %arg9[%add3A_56, %dma_start3A_68] : memref<10240x128xf32, #tpu.memory_space<vmem_shared>> -> memref<128x128xf32, #tpu.memory_space<vmem_shared>>
      tpu.enqueue_dma source(%dma_start3A_69 : memref<128x128xf32, #tpu.memory_space<vmem_shared>>) target(%arg8 : memref<128x128xf32, #tpu.memory_space<vmem>>) target_semaphore(%run_scoped3A : memref<!tpu.dma_semaphore, #tpu.memory_space<semaphore_mem>>)
      %dma_wait3A = arith.constant 0 : i32
      %dma_wait3A_70 = tpu.memref_slice %arg9[%add3A_56, %dma_wait3A] : memref<10240x128xf32, #tpu.memory_space<vmem_shared>> -> memref<128x128xf32, #tpu.memory_space<vmem_shared>>
      %dma_wait3A_71 = arith.constant 0 : i32
      %dma_wait3A_72 = tpu.memref_slice %arg9[%add3A_56, %dma_wait3A_71] : memref<10240x128xf32, #tpu.memory_space<vmem_shared>> -> memref<128x128xf32, #tpu.memory_space<vmem_shared>>
      tpu.wait_dma2 semaphore(%run_scoped3A : memref<!tpu.dma_semaphore, #tpu.memory_space<semaphore_mem>>) src(%dma_wait3A_72 : memref<128x128xf32, #tpu.memory_space<vmem_shared>>) dst(%arg8 : memref<128x128xf32, #tpu.memory_space<vmem>>)
      tpu.yield
    }) : () -> ()
    %mul3A_57 = arith.constant 10240 : i32
    %mul3A_58 = arith.muli %arg0, %mul3A_57 : i32
    %add3A_59 = arith.addi %mul3A_58, %add3A_56 : i32
    "tpu.region"() ({
      %run_scoped3A = tpu.sem_alloc : memref<!tpu.dma_semaphore, #tpu.memory_space<semaphore_mem>>
      %dma_start3A = arith.constant 0 : i32
      %dma_start3A_67 = tpu.memref_slice %arg5[%add3A_59, %dma_start3A] : memref<20480x128xf32, #tpu.memory_space<hbm>> -> memref<128x128xf32, #tpu.memory_space<hbm>>
      %dma_start3A_68 = arith.constant 0 : i32
      %dma_start3A_69 = tpu.memref_slice %arg5[%add3A_59, %dma_start3A_68] : memref<20480x128xf32, #tpu.memory_space<hbm>> -> memref<128x128xf32, #tpu.memory_space<hbm>>
      tpu.enqueue_dma source(%arg8 : memref<128x128xf32, #tpu.memory_space<vmem>>) target(%dma_start3A_69 : memref<128x128xf32, #tpu.memory_space<hbm>>) target_semaphore(%run_scoped3A : memref<!tpu.dma_semaphore, #tpu.memory_space<semaphore_mem>>)
      %dma_wait3A = arith.constant 0 : i32
      %dma_wait3A_70 = tpu.memref_slice %arg5[%add3A_59, %dma_wait3A] : memref<20480x128xf32, #tpu.memory_space<hbm>> -> memref<128x128xf32, #tpu.memory_space<hbm>>
      %dma_wait3A_71 = arith.constant 0 : i32
      %dma_wait3A_72 = tpu.memref_slice %arg5[%add3A_59, %dma_wait3A_71] : memref<20480x128xf32, #tpu.memory_space<hbm>> -> memref<128x128xf32, #tpu.memory_space<hbm>>
      tpu.wait_dma2 semaphore(%run_scoped3A : memref<!tpu.dma_semaphore, #tpu.memory_space<semaphore_mem>>) src(%arg8 : memref<128x128xf32, #tpu.memory_space<vmem>>) dst(%dma_wait3A_72 : memref<128x128xf32, #tpu.memory_space<hbm>>)
      tpu.yield
    }) : () -> ()
    %mul3A_60 = arith.constant 640 : i32
    %mul3A_61 = arith.muli %arg1, %mul3A_60 : i32
    %add3A_62 = arith.constant 512 : i32
    %add3A_63 = arith.addi %mul3A_61, %add3A_62 : i32
    "tpu.region"() ({
      %run_scoped3A = tpu.sem_alloc : memref<!tpu.dma_semaphore, #tpu.memory_space<semaphore_mem>>
      %dma_start3A = arith.constant 0 : i32
      %dma_start3A_67 = tpu.memref_slice %arg9[%add3A_63, %dma_start3A] : memref<10240x128xf32, #tpu.memory_space<vmem_shared>> -> memref<128x128xf32, #tpu.memory_space<vmem_shared>>
      %dma_start3A_68 = arith.constant 0 : i32
      %dma_start3A_69 = tpu.memref_slice %arg9[%add3A_63, %dma_start3A_68] : memref<10240x128xf32, #tpu.memory_space<vmem_shared>> -> memref<128x128xf32, #tpu.memory_space<vmem_shared>>
      tpu.enqueue_dma source(%dma_start3A_69 : memref<128x128xf32, #tpu.memory_space<vmem_shared>>) target(%arg8 : memref<128x128xf32, #tpu.memory_space<vmem>>) target_semaphore(%run_scoped3A : memref<!tpu.dma_semaphore, #tpu.memory_space<semaphore_mem>>)
      %dma_wait3A = arith.constant 0 : i32
      %dma_wait3A_70 = tpu.memref_slice %arg9[%add3A_63, %dma_wait3A] : memref<10240x128xf32, #tpu.memory_space<vmem_shared>> -> memref<128x128xf32, #tpu.memory_space<vmem_shared>>
      %dma_wait3A_71 = arith.constant 0 : i32
      %dma_wait3A_72 = tpu.memref_slice %arg9[%add3A_63, %dma_wait3A_71] : memref<10240x128xf32, #tpu.memory_space<vmem_shared>> -> memref<128x128xf32, #tpu.memory_space<vmem_shared>>
      tpu.wait_dma2 semaphore(%run_scoped3A : memref<!tpu.dma_semaphore, #tpu.memory_space<semaphore_mem>>) src(%dma_wait3A_72 : memref<128x128xf32, #tpu.memory_space<vmem_shared>>) dst(%arg8 : memref<128x128xf32, #tpu.memory_space<vmem>>)
      tpu.yield
    }) : () -> ()
    %mul3A_64 = arith.constant 10240 : i32
    %mul3A_65 = arith.muli %arg0, %mul3A_64 : i32
    %add3A_66 = arith.addi %mul3A_65, %add3A_63 : i32
    "tpu.region"() ({
      %run_scoped3A = tpu.sem_alloc : memref<!tpu.dma_semaphore, #tpu.memory_space<semaphore_mem>>
      %dma_start3A = arith.constant 0 : i32
      %dma_start3A_67 = tpu.memref_slice %arg5[%add3A_66, %dma_start3A] : memref<20480x128xf32, #tpu.memory_space<hbm>> -> memref<128x128xf32, #tpu.memory_space<hbm>>
      %dma_start3A_68 = arith.constant 0 : i32
      %dma_start3A_69 = tpu.memref_slice %arg5[%add3A_66, %dma_start3A_68] : memref<20480x128xf32, #tpu.memory_space<hbm>> -> memref<128x128xf32, #tpu.memory_space<hbm>>
      tpu.enqueue_dma source(%arg8 : memref<128x128xf32, #tpu.memory_space<vmem>>) target(%dma_start3A_69 : memref<128x128xf32, #tpu.memory_space<hbm>>) target_semaphore(%run_scoped3A : memref<!tpu.dma_semaphore, #tpu.memory_space<semaphore_mem>>)
      %dma_wait3A = arith.constant 0 : i32
      %dma_wait3A_70 = tpu.memref_slice %arg5[%add3A_66, %dma_wait3A] : memref<20480x128xf32, #tpu.memory_space<hbm>> -> memref<128x128xf32, #tpu.memory_space<hbm>>
      %dma_wait3A_71 = arith.constant 0 : i32
      %dma_wait3A_72 = tpu.memref_slice %arg5[%add3A_66, %dma_wait3A_71] : memref<20480x128xf32, #tpu.memory_space<hbm>> -> memref<128x128xf32, #tpu.memory_space<hbm>>
      tpu.wait_dma2 semaphore(%run_scoped3A : memref<!tpu.dma_semaphore, #tpu.memory_space<semaphore_mem>>) src(%arg8 : memref<128x128xf32, #tpu.memory_space<vmem>>) dst(%dma_wait3A_72 : memref<128x128xf32, #tpu.memory_space<hbm>>)
      tpu.yield
    }) : () -> ()
    return
  }
}

#map = affine_map<(d0, d1) -> (0)>
module attributes {stable_mosaic.version = 14 : i64} {
  func.func @_sc_deg_body(%arg0: i32, %arg1: i32, %arg2: memref<323584xi32, #tpu.memory_space<hbm>>, %arg3: memref<327680xf32, #tpu.memory_space<hbm>>, %arg4: memref<10112xi32, #tpu.memory_space<vmem>>, %arg5: memref<10240xf32, #tpu.memory_space<vmem>>) attributes {dimension_semantics = [#tpu.dimension_semantics<core_parallel>, #tpu.dimension_semantics<subcore_parallel>], iteration_bounds = array<i64: 2, 16>, scalar_prefetch = 0 : i64, scratch_operands = 2 : i64, tpu.core_type = #tpu.core_type<sc_vector_subcore>, window_params = [{transform_indices = #map}, {transform_indices = #map}]} {
    %mul3A = arith.constant 2 : i32
    %mul3A_0 = arith.muli %arg1, %mul3A : i32
    %add3A = arith.addi %mul3A_0, %arg0 : i32
    %broadcast_in_dim3A = arith.constant 0.000000e+00 : f32
    %broadcast_in_dim3A_1 = vector.broadcast %broadcast_in_dim3A : f32 to vector<16xf32>
    %broadcast_in_dim3A_2 = arith.constant 1.000000e+00 : f32
    %broadcast_in_dim3A_3 = vector.broadcast %broadcast_in_dim3A_2 : f32 to vector<16xf32>
    %scan3A = arith.constant 0 : i32
    %scan3A_4 = arith.constant 640 : i32
    %scan3A_5 = arith.addi %scan3A, %scan3A_4 : i32
    %scan3A_6 = arith.constant 1 : i32
    scf.for %scan3A_17 = %scan3A to %scan3A_5 step %scan3A_6  : i32 {
      %mul3A_18 = arith.constant 1 : i32
      %mul3A_19 = arith.muli %scan3A_17, %mul3A_18 : i32
      %add3A_20 = arith.constant 0 : i32
      %add3A_21 = arith.addi %add3A_20, %mul3A_19 : i32
      %mul3A_22 = arith.constant 16 : i32
      %mul3A_23 = arith.muli %add3A_21, %mul3A_22 : i32
      %swap3A = arith.index_cast %mul3A_23 : i32 to index
      %swap3A_24 = tpu.vector_load %arg5[%swap3A] {strides = array<i32>} : memref<10240xf32, #tpu.memory_space<vmem>>, vector<16xf32>,
      tpu.vector_store %arg5[%swap3A], %broadcast_in_dim3A_1 {strides = array<i32>} : memref<10240xf32, #tpu.memory_space<vmem>>, vector<16xf32>,
    }
    %scan3A_7 = arith.constant 640 : i32
    %mul3A_8 = arith.constant 10112 : i32
    %mul3A_9 = arith.muli %add3A, %mul3A_8 : i32
    "tpu.region"() ({
      %run_scoped3A = tpu.sem_alloc : memref<!tpu.dma_semaphore, #tpu.memory_space<semaphore_mem>>
      %dma_start3A = tpu.memref_slice %arg2[%mul3A_9] : memref<323584xi32, #tpu.memory_space<hbm>> -> memref<10112xi32, #tpu.memory_space<hbm>>
      %dma_start3A_17 = tpu.memref_slice %arg2[%mul3A_9] : memref<323584xi32, #tpu.memory_space<hbm>> -> memref<10112xi32, #tpu.memory_space<hbm>>
      tpu.enqueue_dma source(%dma_start3A_17 : memref<10112xi32, #tpu.memory_space<hbm>>) target(%arg4 : memref<10112xi32, #tpu.memory_space<vmem>>) target_semaphore(%run_scoped3A : memref<!tpu.dma_semaphore, #tpu.memory_space<semaphore_mem>>)
      %dma_wait3A = tpu.memref_slice %arg2[%mul3A_9] : memref<323584xi32, #tpu.memory_space<hbm>> -> memref<10112xi32, #tpu.memory_space<hbm>>
      %dma_wait3A_18 = tpu.memref_slice %arg2[%mul3A_9] : memref<323584xi32, #tpu.memory_space<hbm>> -> memref<10112xi32, #tpu.memory_space<hbm>>
      tpu.wait_dma2 semaphore(%run_scoped3A : memref<!tpu.dma_semaphore, #tpu.memory_space<semaphore_mem>>) src(%dma_wait3A_18 : memref<10112xi32, #tpu.memory_space<hbm>>) dst(%arg4 : memref<10112xi32, #tpu.memory_space<vmem>>)
      tpu.yield
    }) : () -> ()
    %scan3A_10 = arith.constant 0 : i32
    %scan3A_11 = arith.constant 632 : i32
    %scan3A_12 = arith.addi %scan3A_10, %scan3A_11 : i32
    %scan3A_13 = arith.constant 1 : i32
    scf.for %scan3A_17 = %scan3A_10 to %scan3A_12 step %scan3A_13  : i32 {
      %mul3A_18 = arith.constant 1 : i32
      %mul3A_19 = arith.muli %scan3A_17, %mul3A_18 : i32
      %add3A_20 = arith.constant 0 : i32
      %add3A_21 = arith.addi %add3A_20, %mul3A_19 : i32
      %mul3A_22 = arith.constant 16 : i32
      %mul3A_23 = arith.muli %add3A_21, %mul3A_22 : i32
      %get3A = arith.index_cast %mul3A_23 : i32 to index
      %get3A_24 = tpu.vector_load %arg4[%get3A] {strides = array<i32>} : memref<10112xi32, #tpu.memory_space<vmem>>, vector<16xi32>,
      tpu.vector_store_idx %arg5[%get3A_24], %broadcast_in_dim3A_3 {add = true} : memref<10240xf32, #tpu.memory_space<vmem>>[vector<16xi32>], vector<16xf32>,
    }
    %scan3A_14 = arith.constant 632 : i32
    %mul3A_15 = arith.constant 10240 : i32
    %mul3A_16 = arith.muli %add3A, %mul3A_15 : i32
    "tpu.region"() ({
      %run_scoped3A = tpu.sem_alloc : memref<!tpu.dma_semaphore, #tpu.memory_space<semaphore_mem>>
      %dma_start3A = tpu.memref_slice %arg3[%mul3A_16] : memref<327680xf32, #tpu.memory_space<hbm>> -> memref<10240xf32, #tpu.memory_space<hbm>>
      %dma_start3A_17 = tpu.memref_slice %arg3[%mul3A_16] : memref<327680xf32, #tpu.memory_space<hbm>> -> memref<10240xf32, #tpu.memory_space<hbm>>
      tpu.enqueue_dma source(%arg5 : memref<10240xf32, #tpu.memory_space<vmem>>) target(%dma_start3A_17 : memref<10240xf32, #tpu.memory_space<hbm>>) target_semaphore(%run_scoped3A : memref<!tpu.dma_semaphore, #tpu.memory_space<semaphore_mem>>)
      %dma_wait3A = tpu.memref_slice %arg3[%mul3A_16] : memref<327680xf32, #tpu.memory_space<hbm>> -> memref<10240xf32, #tpu.memory_space<hbm>>
      %dma_wait3A_18 = tpu.memref_slice %arg3[%mul3A_16] : memref<327680xf32, #tpu.memory_space<hbm>> -> memref<10240xf32, #tpu.memory_space<hbm>>
      tpu.wait_dma2 semaphore(%run_scoped3A : memref<!tpu.dma_semaphore, #tpu.memory_space<semaphore_mem>>) src(%arg5 : memref<10240xf32, #tpu.memory_space<vmem>>) dst(%dma_wait3A_18 : memref<10240xf32, #tpu.memory_space<hbm>>)
      tpu.yield
    }) : () -> ()
    return
  }
}

#map = affine_map<(d0, d1) -> (0, 0)>
#map1 = affine_map<(d0, d1) -> (0)>
module attributes {stable_mosaic.version = 14 : i64} {
  func.func @_sc_agg_body(%arg0: i32, %arg1: i32, %arg2: memref<10240x128xf32, #tpu.memory_space<hbm>>, %arg3: memref<323584xi32, #tpu.memory_space<hbm>>, %arg4: memref<323584xi32, #tpu.memory_space<hbm>>, %arg5: memref<20480x128xf32, #tpu.memory_space<hbm>>, %arg6: memref<128xi32, #tpu.memory_space<vmem>>, %arg7: memref<128xi32, #tpu.memory_space<vmem>>, %arg8: memref<128x128xf32, #tpu.memory_space<vmem>>, %arg9: memref<10240x128xf32, #tpu.memory_space<vmem_shared>>, %arg10: memref<!tpu.dma_semaphore, #tpu.memory_space<semaphore_mem>>) attributes {dimension_semantics = [#tpu.dimension_semantics<core_parallel>, #tpu.dimension_semantics<subcore_parallel>], iteration_bounds = array<i64: 2, 16>, scalar_prefetch = 0 : i64, scratch_operands = 5 : i64, tpu.core_type = #tpu.core_type<sc_vector_subcore>, window_params = [{transform_indices = #map}, {transform_indices = #map1}, {transform_indices = #map1}, {transform_indices = #map}]} {
    %broadcast_in_dim3A = arith.constant 0.000000e+00 : f32
    %broadcast_in_dim3A_0 = vector.broadcast %broadcast_in_dim3A : f32 to vector<16xf32>
    %scan3A = arith.constant 0 : i32
    %scan3A_1 = arith.constant 1024 : i32
    %scan3A_2 = arith.addi %scan3A, %scan3A_1 : i32
    %scan3A_3 = arith.constant 1 : i32
    scf.for %scan3A_67 = %scan3A to %scan3A_2 step %scan3A_3  : i32 {
      %mul3A_68 = arith.constant 1 : i32
      %mul3A_69 = arith.muli %scan3A_67, %mul3A_68 : i32
      %add3A_70 = arith.constant 0 : i32
      %add3A_71 = arith.addi %add3A_70, %mul3A_69 : i32
      %jit3A = arith.constant 8 : i32
      %div3A = arith.divsi %add3A_71, %jit3A : i32
      %sign3A = arith.constant 0 : i32
      %sign3A_72 = arith.cmpi sgt, %add3A_71, %sign3A : i32
      %sign3A_73 = arith.extui %sign3A_72 : i1 to i32
      %sign3A_74 = arith.constant 0 : i32
      %sign3A_75 = arith.cmpi slt, %add3A_71, %sign3A_74 : i32
      %sign3A_76 = arith.extui %sign3A_75 : i1 to i32
      %sign3A_77 = arith.subi %sign3A_73, %sign3A_76 : i32
      %sign3A_78 = arith.constant 0 : i32
      %sign3A_79 = arith.cmpi sgt, %jit3A, %sign3A_78 : i32
      %sign3A_80 = arith.extui %sign3A_79 : i1 to i32
      %sign3A_81 = arith.constant 0 : i32
      %sign3A_82 = arith.cmpi slt, %jit3A, %sign3A_81 : i32
      %sign3A_83 = arith.extui %sign3A_82 : i1 to i32
      %sign3A_84 = arith.subi %sign3A_80, %sign3A_83 : i32
      %ne3A = arith.cmpi ne, %sign3A_77, %sign3A_84 : i32
      %rem3A = arith.remsi %add3A_71, %jit3A : i32
      %ne3A_85 = arith.constant 0 : i32
      %ne3A_86 = arith.cmpi ne, %rem3A, %ne3A_85 : i32
      %and3A = arith.andi %ne3A, %ne3A_86 : i1
      %sub3A = arith.constant 1 : i32
      %sub3A_87 = arith.subi %div3A, %sub3A : i32
      %select_n3A = arith.select %and3A, %sub3A_87, %div3A : i32
      %jit3A_88 = arith.constant 8 : i32
      %eq3A = arith.constant 0 : i32
      %eq3A_89 = arith.cmpi eq, %jit3A_88, %eq3A : i32
      %jit3A_90 = arith.constant 1 : i32
      %select_n3A_91 = arith.select %eq3A_89, %jit3A_90, %jit3A_88 : i32
      %rem3A_92 = arith.remsi %add3A_71, %select_n3A_91 : i32
      %ne3A_93 = arith.constant 0 : i32
      %ne3A_94 = arith.cmpi ne, %rem3A_92, %ne3A_93 : i32
      %lt3A = arith.constant 0 : i32
      %lt3A_95 = arith.cmpi slt, %rem3A_92, %lt3A : i32
      %lt3A_96 = arith.constant 0 : i32
      %lt3A_97 = arith.cmpi slt, %select_n3A_91, %lt3A_96 : i32
      %ne3A_98 = arith.xori %lt3A_95, %lt3A_97 : i1
      %and3A_99 = arith.andi %ne3A_98, %ne3A_94 : i1
      %add3A_100 = arith.addi %rem3A_92, %select_n3A_91 : i32
      %select_n3A_101 = arith.select %and3A_99, %add3A_100, %rem3A_92 : i32
      %mul3A_102 = arith.constant 16 : i32
      %mul3A_103 = arith.muli %select_n3A_101, %mul3A_102 : i32
      %swap3A = arith.index_cast %select_n3A : i32 to index
      %swap3A_104 = arith.index_cast %mul3A_103 : i32 to index
      %swap3A_105 = tpu.vector_load %arg8[%swap3A, %swap3A_104] {strides = array<i32>} : memref<128x128xf32, #tpu.memory_space<vmem>>, vector<16xf32>,
      tpu.vector_store %arg8[%swap3A, %swap3A_104], %broadcast_in_dim3A_0 {strides = array<i32>} : memref<128x128xf32, #tpu.memory_space<vmem>>, vector<16xf32>,
    }
    %scan3A_4 = arith.constant 1024 : i32
    %mul3A = arith.constant 640 : i32
    %mul3A_5 = arith.muli %arg1, %mul3A : i32
    %add3A = arith.constant 0 : i32
    %add3A_6 = arith.addi %mul3A_5, %add3A : i32
    "tpu.region"() ({
      %run_scoped3A = tpu.sem_alloc : memref<!tpu.dma_semaphore, #tpu.memory_space<semaphore_mem>>
      %dma_start3A = arith.constant 0 : i32
      %dma_start3A_67 = tpu.memref_slice %arg9[%add3A_6, %dma_start3A] : memref<10240x128xf32, #tpu.memory_space<vmem_shared>> -> memref<128x128xf32, #tpu.memory_space<vmem_shared>>
      %dma_start3A_68 = arith.constant 0 : i32
      %dma_start3A_69 = tpu.memref_slice %arg9[%add3A_6, %dma_start3A_68] : memref<10240x128xf32, #tpu.memory_space<vmem_shared>> -> memref<128x128xf32, #tpu.memory_space<vmem_shared>>
      tpu.enqueue_dma source(%arg8 : memref<128x128xf32, #tpu.memory_space<vmem>>) target(%dma_start3A_69 : memref<128x128xf32, #tpu.memory_space<vmem_shared>>) target_semaphore(%run_scoped3A : memref<!tpu.dma_semaphore, #tpu.memory_space<semaphore_mem>>)
      %dma_wait3A = arith.constant 0 : i32
      %dma_wait3A_70 = tpu.memref_slice %arg9[%add3A_6, %dma_wait3A] : memref<10240x128xf32, #tpu.memory_space<vmem_shared>> -> memref<128x128xf32, #tpu.memory_space<vmem_shared>>
      %dma_wait3A_71 = arith.constant 0 : i32
      %dma_wait3A_72 = tpu.memref_slice %arg9[%add3A_6, %dma_wait3A_71] : memref<10240x128xf32, #tpu.memory_space<vmem_shared>> -> memref<128x128xf32, #tpu.memory_space<vmem_shared>>
      tpu.wait_dma2 semaphore(%run_scoped3A : memref<!tpu.dma_semaphore, #tpu.memory_space<semaphore_mem>>) src(%arg8 : memref<128x128xf32, #tpu.memory_space<vmem>>) dst(%dma_wait3A_72 : memref<128x128xf32, #tpu.memory_space<vmem_shared>>)
      tpu.yield
    }) : () -> ()
    %mul3A_7 = arith.constant 640 : i32
    %mul3A_8 = arith.muli %arg1, %mul3A_7 : i32
    %add3A_9 = arith.constant 128 : i32
    %add3A_10 = arith.addi %mul3A_8, %add3A_9 : i32
    "tpu.region"() ({
      %run_scoped3A = tpu.sem_alloc : memref<!tpu.dma_semaphore, #tpu.memory_space<semaphore_mem>>
      %dma_start3A = arith.constant 0 : i32
      %dma_start3A_67 = tpu.memref_slice %arg9[%add3A_10, %dma_start3A] : memref<10240x128xf32, #tpu.memory_space<vmem_shared>> -> memref<128x128xf32, #tpu.memory_space<vmem_shared>>
      %dma_start3A_68 = arith.constant 0 : i32
      %dma_start3A_69 = tpu.memref_slice %arg9[%add3A_10, %dma_start3A_68] : memref<10240x128xf32, #tpu.memory_space<vmem_shared>> -> memref<128x128xf32, #tpu.memory_space<vmem_shared>>
      tpu.enqueue_dma source(%arg8 : memref<128x128xf32, #tpu.memory_space<vmem>>) target(%dma_start3A_69 : memref<128x128xf32, #tpu.memory_space<vmem_shared>>) target_semaphore(%run_scoped3A : memref<!tpu.dma_semaphore, #tpu.memory_space<semaphore_mem>>)
      %dma_wait3A = arith.constant 0 : i32
      %dma_wait3A_70 = tpu.memref_slice %arg9[%add3A_10, %dma_wait3A] : memref<10240x128xf32, #tpu.memory_space<vmem_shared>> -> memref<128x128xf32, #tpu.memory_space<vmem_shared>>
      %dma_wait3A_71 = arith.constant 0 : i32
      %dma_wait3A_72 = tpu.memref_slice %arg9[%add3A_10, %dma_wait3A_71] : memref<10240x128xf32, #tpu.memory_space<vmem_shared>> -> memref<128x128xf32, #tpu.memory_space<vmem_shared>>
      tpu.wait_dma2 semaphore(%run_scoped3A : memref<!tpu.dma_semaphore, #tpu.memory_space<semaphore_mem>>) src(%arg8 : memref<128x128xf32, #tpu.memory_space<vmem>>) dst(%dma_wait3A_72 : memref<128x128xf32, #tpu.memory_space<vmem_shared>>)
      tpu.yield
    }) : () -> ()
    %mul3A_11 = arith.constant 640 : i32
    %mul3A_12 = arith.muli %arg1, %mul3A_11 : i32
    %add3A_13 = arith.constant 256 : i32
    %add3A_14 = arith.addi %mul3A_12, %add3A_13 : i32
    "tpu.region"() ({
      %run_scoped3A = tpu.sem_alloc : memref<!tpu.dma_semaphore, #tpu.memory_space<semaphore_mem>>
      %dma_start3A = arith.constant 0 : i32
      %dma_start3A_67 = tpu.memref_slice %arg9[%add3A_14, %dma_start3A] : memref<10240x128xf32, #tpu.memory_space<vmem_shared>> -> memref<128x128xf32, #tpu.memory_space<vmem_shared>>
      %dma_start3A_68 = arith.constant 0 : i32
      %dma_start3A_69 = tpu.memref_slice %arg9[%add3A_14, %dma_start3A_68] : memref<10240x128xf32, #tpu.memory_space<vmem_shared>> -> memref<128x128xf32, #tpu.memory_space<vmem_shared>>
      tpu.enqueue_dma source(%arg8 : memref<128x128xf32, #tpu.memory_space<vmem>>) target(%dma_start3A_69 : memref<128x128xf32, #tpu.memory_space<vmem_shared>>) target_semaphore(%run_scoped3A : memref<!tpu.dma_semaphore, #tpu.memory_space<semaphore_mem>>)
      %dma_wait3A = arith.constant 0 : i32
      %dma_wait3A_70 = tpu.memref_slice %arg9[%add3A_14, %dma_wait3A] : memref<10240x128xf32, #tpu.memory_space<vmem_shared>> -> memref<128x128xf32, #tpu.memory_space<vmem_shared>>
      %dma_wait3A_71 = arith.constant 0 : i32
      %dma_wait3A_72 = tpu.memref_slice %arg9[%add3A_14, %dma_wait3A_71] : memref<10240x128xf32, #tpu.memory_space<vmem_shared>> -> memref<128x128xf32, #tpu.memory_space<vmem_shared>>
      tpu.wait_dma2 semaphore(%run_scoped3A : memref<!tpu.dma_semaphore, #tpu.memory_space<semaphore_mem>>) src(%arg8 : memref<128x128xf32, #tpu.memory_space<vmem>>) dst(%dma_wait3A_72 : memref<128x128xf32, #tpu.memory_space<vmem_shared>>)
      tpu.yield
    }) : () -> ()
    %mul3A_15 = arith.constant 640 : i32
    %mul3A_16 = arith.muli %arg1, %mul3A_15 : i32
    %add3A_17 = arith.constant 384 : i32
    %add3A_18 = arith.addi %mul3A_16, %add3A_17 : i32
    "tpu.region"() ({
      %run_scoped3A = tpu.sem_alloc : memref<!tpu.dma_semaphore, #tpu.memory_space<semaphore_mem>>
      %dma_start3A = arith.constant 0 : i32
      %dma_start3A_67 = tpu.memref_slice %arg9[%add3A_18, %dma_start3A] : memref<10240x128xf32, #tpu.memory_space<vmem_shared>> -> memref<128x128xf32, #tpu.memory_space<vmem_shared>>
      %dma_start3A_68 = arith.constant 0 : i32
      %dma_start3A_69 = tpu.memref_slice %arg9[%add3A_18, %dma_start3A_68] : memref<10240x128xf32, #tpu.memory_space<vmem_shared>> -> memref<128x128xf32, #tpu.memory_space<vmem_shared>>
      tpu.enqueue_dma source(%arg8 : memref<128x128xf32, #tpu.memory_space<vmem>>) target(%dma_start3A_69 : memref<128x128xf32, #tpu.memory_space<vmem_shared>>) target_semaphore(%run_scoped3A : memref<!tpu.dma_semaphore, #tpu.memory_space<semaphore_mem>>)
      %dma_wait3A = arith.constant 0 : i32
      %dma_wait3A_70 = tpu.memref_slice %arg9[%add3A_18, %dma_wait3A] : memref<10240x128xf32, #tpu.memory_space<vmem_shared>> -> memref<128x128xf32, #tpu.memory_space<vmem_shared>>
      %dma_wait3A_71 = arith.constant 0 : i32
      %dma_wait3A_72 = tpu.memref_slice %arg9[%add3A_18, %dma_wait3A_71] : memref<10240x128xf32, #tpu.memory_space<vmem_shared>> -> memref<128x128xf32, #tpu.memory_space<vmem_shared>>
      tpu.wait_dma2 semaphore(%run_scoped3A : memref<!tpu.dma_semaphore, #tpu.memory_space<semaphore_mem>>) src(%arg8 : memref<128x128xf32, #tpu.memory_space<vmem>>) dst(%dma_wait3A_72 : memref<128x128xf32, #tpu.memory_space<vmem_shared>>)
      tpu.yield
    }) : () -> ()
    %mul3A_19 = arith.constant 640 : i32
    %mul3A_20 = arith.muli %arg1, %mul3A_19 : i32
    %add3A_21 = arith.constant 512 : i32
    %add3A_22 = arith.addi %mul3A_20, %add3A_21 : i32
    "tpu.region"() ({
      %run_scoped3A = tpu.sem_alloc : memref<!tpu.dma_semaphore, #tpu.memory_space<semaphore_mem>>
      %dma_start3A = arith.constant 0 : i32
      %dma_start3A_67 = tpu.memref_slice %arg9[%add3A_22, %dma_start3A] : memref<10240x128xf32, #tpu.memory_space<vmem_shared>> -> memref<128x128xf32, #tpu.memory_space<vmem_shared>>
      %dma_start3A_68 = arith.constant 0 : i32
      %dma_start3A_69 = tpu.memref_slice %arg9[%add3A_22, %dma_start3A_68] : memref<10240x128xf32, #tpu.memory_space<vmem_shared>> -> memref<128x128xf32, #tpu.memory_space<vmem_shared>>
      tpu.enqueue_dma source(%arg8 : memref<128x128xf32, #tpu.memory_space<vmem>>) target(%dma_start3A_69 : memref<128x128xf32, #tpu.memory_space<vmem_shared>>) target_semaphore(%run_scoped3A : memref<!tpu.dma_semaphore, #tpu.memory_space<semaphore_mem>>)
      %dma_wait3A = arith.constant 0 : i32
      %dma_wait3A_70 = tpu.memref_slice %arg9[%add3A_22, %dma_wait3A] : memref<10240x128xf32, #tpu.memory_space<vmem_shared>> -> memref<128x128xf32, #tpu.memory_space<vmem_shared>>
      %dma_wait3A_71 = arith.constant 0 : i32
      %dma_wait3A_72 = tpu.memref_slice %arg9[%add3A_22, %dma_wait3A_71] : memref<10240x128xf32, #tpu.memory_space<vmem_shared>> -> memref<128x128xf32, #tpu.memory_space<vmem_shared>>
      tpu.wait_dma2 semaphore(%run_scoped3A : memref<!tpu.dma_semaphore, #tpu.memory_space<semaphore_mem>>) src(%arg8 : memref<128x128xf32, #tpu.memory_space<vmem>>) dst(%dma_wait3A_72 : memref<128x128xf32, #tpu.memory_space<vmem_shared>>)
      tpu.yield
    }) : () -> ()
    %barrier3A = arith.constant 0 : index
    tpu.barrier barrier_id(%barrier3A)
    %mul3A_23 = arith.constant 2 : i32
    %mul3A_24 = arith.muli %arg1, %mul3A_23 : i32
    %add3A_25 = arith.addi %mul3A_24, %arg0 : i32
    %scan3A_26 = arith.constant 0 : i32
    %scan3A_27 = arith.constant 79 : i32
    %scan3A_28 = arith.addi %scan3A_26, %scan3A_27 : i32
    %scan3A_29 = arith.constant 1 : i32
    scf.for %scan3A_67 = %scan3A_26 to %scan3A_28 step %scan3A_29  : i32 {
      %mul3A_68 = arith.constant 1 : i32
      %mul3A_69 = arith.muli %scan3A_67, %mul3A_68 : i32
      %add3A_70 = arith.constant 0 : i32
      %add3A_71 = arith.addi %add3A_70, %mul3A_69 : i32
      %mul3A_72 = arith.constant 10112 : i32
      %mul3A_73 = arith.muli %add3A_25, %mul3A_72 : i32
      %mul3A_74 = arith.constant 128 : i32
      %mul3A_75 = arith.muli %add3A_71, %mul3A_74 : i32
      %add3A_76 = arith.addi %mul3A_73, %mul3A_75 : i32
      "tpu.region"() ({
        %run_scoped3A = tpu.sem_alloc : memref<!tpu.dma_semaphore, #tpu.memory_space<semaphore_mem>>
        %dma_start3A_81 = tpu.memref_slice %arg3[%add3A_76] : memref<323584xi32, #tpu.memory_space<hbm>> -> memref<128xi32, #tpu.memory_space<hbm>>
        %dma_start3A_82 = tpu.memref_slice %arg3[%add3A_76] : memref<323584xi32, #tpu.memory_space<hbm>> -> memref<128xi32, #tpu.memory_space<hbm>>
        tpu.enqueue_dma source(%dma_start3A_82 : memref<128xi32, #tpu.memory_space<hbm>>) target(%arg6 : memref<128xi32, #tpu.memory_space<vmem>>) target_semaphore(%run_scoped3A : memref<!tpu.dma_semaphore, #tpu.memory_space<semaphore_mem>>)
        %dma_wait3A_83 = tpu.memref_slice %arg3[%add3A_76] : memref<323584xi32, #tpu.memory_space<hbm>> -> memref<128xi32, #tpu.memory_space<hbm>>
        %dma_wait3A_84 = tpu.memref_slice %arg3[%add3A_76] : memref<323584xi32, #tpu.memory_space<hbm>> -> memref<128xi32, #tpu.memory_space<hbm>>
        tpu.wait_dma2 semaphore(%run_scoped3A : memref<!tpu.dma_semaphore, #tpu.memory_space<semaphore_mem>>) src(%dma_wait3A_84 : memref<128xi32, #tpu.memory_space<hbm>>) dst(%arg6 : memref<128xi32, #tpu.memory_space<vmem>>)
        tpu.yield
      }) : () -> ()
      "tpu.region"() ({
        %run_scoped3A = tpu.sem_alloc : memref<!tpu.dma_semaphore, #tpu.memory_space<semaphore_mem>>
        %dma_start3A_81 = tpu.memref_slice %arg4[%add3A_76] : memref<323584xi32, #tpu.memory_space<hbm>> -> memref<128xi32, #tpu.memory_space<hbm>>
        %dma_start3A_82 = tpu.memref_slice %arg4[%add3A_76] : memref<323584xi32, #tpu.memory_space<hbm>> -> memref<128xi32, #tpu.memory_space<hbm>>
        tpu.enqueue_dma source(%dma_start3A_82 : memref<128xi32, #tpu.memory_space<hbm>>) target(%arg7 : memref<128xi32, #tpu.memory_space<vmem>>) target_semaphore(%run_scoped3A : memref<!tpu.dma_semaphore, #tpu.memory_space<semaphore_mem>>)
        %dma_wait3A_83 = tpu.memref_slice %arg4[%add3A_76] : memref<323584xi32, #tpu.memory_space<hbm>> -> memref<128xi32, #tpu.memory_space<hbm>>
        %dma_wait3A_84 = tpu.memref_slice %arg4[%add3A_76] : memref<323584xi32, #tpu.memory_space<hbm>> -> memref<128xi32, #tpu.memory_space<hbm>>
        tpu.wait_dma2 semaphore(%run_scoped3A : memref<!tpu.dma_semaphore, #tpu.memory_space<semaphore_mem>>) src(%dma_wait3A_84 : memref<128xi32, #tpu.memory_space<hbm>>) dst(%arg7 : memref<128xi32, #tpu.memory_space<vmem>>)
        tpu.yield
      }) : () -> ()
      %dma_start3A = arith.constant 0 : i32
      %dma_start3A_77 = arith.constant 0 : i32
      %dma_start3A_78 = tpu.memref_slice %arg2[%dma_start3A, %dma_start3A_77] : memref<10240x128xf32, #tpu.memory_space<hbm>> -> memref<10240x128xf32, #tpu.memory_space<hbm>>
      tpu.enqueue_indirect_dma source(%dma_start3A_78 : memref<10240x128xf32, #tpu.memory_space<hbm>>) target(%arg8 : memref<128x128xf32, #tpu.memory_space<vmem>>) offsets(%arg6 : memref<128xi32, #tpu.memory_space<vmem>>) semaphore(%arg10 : memref<!tpu.dma_semaphore, #tpu.memory_space<semaphore_mem>>)
      %dma_wait3A = arith.constant 0 : i32
      %dma_wait3A_79 = arith.constant 0 : i32
      %dma_wait3A_80 = tpu.memref_slice %arg2[%dma_wait3A, %dma_wait3A_79] : memref<10240x128xf32, #tpu.memory_space<hbm>> -> memref<10240x128xf32, #tpu.memory_space<hbm>>
      tpu.wait_indirect_dma semaphore(%arg10 : memref<!tpu.dma_semaphore, #tpu.memory_space<semaphore_mem>>) src(%dma_wait3A_80 : memref<10240x128xf32, #tpu.memory_space<hbm>>) dst(%arg8 : memref<128x128xf32, #tpu.memory_space<vmem>>)
      "tpu.region"() ({
        %run_scoped3A = tpu.sem_alloc : memref<!tpu.dma_semaphore, #tpu.memory_space<semaphore_mem>>
        %dma_start3A_81 = arith.constant 0 : i32
        %dma_start3A_82 = arith.constant 0 : i32
        %dma_start3A_83 = tpu.memref_slice %arg9[%dma_start3A_81, %dma_start3A_82] : memref<10240x128xf32, #tpu.memory_space<vmem_shared>> -> memref<10240x128xf32, #tpu.memory_space<vmem_shared>>
        tpu.enqueue_indirect_dma source(%arg8 : memref<128x128xf32, #tpu.memory_space<vmem>>) target(%dma_start3A_83 : memref<10240x128xf32, #tpu.memory_space<vmem_shared>>) offsets(%arg7 : memref<128xi32, #tpu.memory_space<vmem>>) semaphore(%run_scoped3A : memref<!tpu.dma_semaphore, #tpu.memory_space<semaphore_mem>>) {add = true}
        %dma_wait3A_84 = arith.constant 0 : i32
        %dma_wait3A_85 = arith.constant 0 : i32
        %dma_wait3A_86 = tpu.memref_slice %arg9[%dma_wait3A_84, %dma_wait3A_85] : memref<10240x128xf32, #tpu.memory_space<vmem_shared>> -> memref<10240x128xf32, #tpu.memory_space<vmem_shared>>
        tpu.wait_indirect_dma semaphore(%run_scoped3A : memref<!tpu.dma_semaphore, #tpu.memory_space<semaphore_mem>>) src(%arg8 : memref<128x128xf32, #tpu.memory_space<vmem>>) dst(%dma_wait3A_86 : memref<10240x128xf32, #tpu.memory_space<vmem_shared>>)
        tpu.yield
      }) : () -> ()
    }
    %scan3A_30 = arith.constant 79 : i32
    %barrier3A_31 = arith.constant 0 : index
    tpu.barrier barrier_id(%barrier3A_31)
    %mul3A_32 = arith.constant 640 : i32
    %mul3A_33 = arith.muli %arg1, %mul3A_32 : i32
    %add3A_34 = arith.constant 0 : i32
    %add3A_35 = arith.addi %mul3A_33, %add3A_34 : i32
    "tpu.region"() ({
      %run_scoped3A = tpu.sem_alloc : memref<!tpu.dma_semaphore, #tpu.memory_space<semaphore_mem>>
      %dma_start3A = arith.constant 0 : i32
      %dma_start3A_67 = tpu.memref_slice %arg9[%add3A_35, %dma_start3A] : memref<10240x128xf32, #tpu.memory_space<vmem_shared>> -> memref<128x128xf32, #tpu.memory_space<vmem_shared>>
      %dma_start3A_68 = arith.constant 0 : i32
      %dma_start3A_69 = tpu.memref_slice %arg9[%add3A_35, %dma_start3A_68] : memref<10240x128xf32, #tpu.memory_space<vmem_shared>> -> memref<128x128xf32, #tpu.memory_space<vmem_shared>>
      tpu.enqueue_dma source(%dma_start3A_69 : memref<128x128xf32, #tpu.memory_space<vmem_shared>>) target(%arg8 : memref<128x128xf32, #tpu.memory_space<vmem>>) target_semaphore(%run_scoped3A : memref<!tpu.dma_semaphore, #tpu.memory_space<semaphore_mem>>)
      %dma_wait3A = arith.constant 0 : i32
      %dma_wait3A_70 = tpu.memref_slice %arg9[%add3A_35, %dma_wait3A] : memref<10240x128xf32, #tpu.memory_space<vmem_shared>> -> memref<128x128xf32, #tpu.memory_space<vmem_shared>>
      %dma_wait3A_71 = arith.constant 0 : i32
      %dma_wait3A_72 = tpu.memref_slice %arg9[%add3A_35, %dma_wait3A_71] : memref<10240x128xf32, #tpu.memory_space<vmem_shared>> -> memref<128x128xf32, #tpu.memory_space<vmem_shared>>
      tpu.wait_dma2 semaphore(%run_scoped3A : memref<!tpu.dma_semaphore, #tpu.memory_space<semaphore_mem>>) src(%dma_wait3A_72 : memref<128x128xf32, #tpu.memory_space<vmem_shared>>) dst(%arg8 : memref<128x128xf32, #tpu.memory_space<vmem>>)
      tpu.yield
    }) : () -> ()
    %mul3A_36 = arith.constant 10240 : i32
    %mul3A_37 = arith.muli %arg0, %mul3A_36 : i32
    %add3A_38 = arith.addi %mul3A_37, %add3A_35 : i32
    "tpu.region"() ({
      %run_scoped3A = tpu.sem_alloc : memref<!tpu.dma_semaphore, #tpu.memory_space<semaphore_mem>>
      %dma_start3A = arith.constant 0 : i32
      %dma_start3A_67 = tpu.memref_slice %arg5[%add3A_38, %dma_start3A] : memref<20480x128xf32, #tpu.memory_space<hbm>> -> memref<128x128xf32, #tpu.memory_space<hbm>>
      %dma_start3A_68 = arith.constant 0 : i32
      %dma_start3A_69 = tpu.memref_slice %arg5[%add3A_38, %dma_start3A_68] : memref<20480x128xf32, #tpu.memory_space<hbm>> -> memref<128x128xf32, #tpu.memory_space<hbm>>
      tpu.enqueue_dma source(%arg8 : memref<128x128xf32, #tpu.memory_space<vmem>>) target(%dma_start3A_69 : memref<128x128xf32, #tpu.memory_space<hbm>>) target_semaphore(%run_scoped3A : memref<!tpu.dma_semaphore, #tpu.memory_space<semaphore_mem>>)
      %dma_wait3A = arith.constant 0 : i32
      %dma_wait3A_70 = tpu.memref_slice %arg5[%add3A_38, %dma_wait3A] : memref<20480x128xf32, #tpu.memory_space<hbm>> -> memref<128x128xf32, #tpu.memory_space<hbm>>
      %dma_wait3A_71 = arith.constant 0 : i32
      %dma_wait3A_72 = tpu.memref_slice %arg5[%add3A_38, %dma_wait3A_71] : memref<20480x128xf32, #tpu.memory_space<hbm>> -> memref<128x128xf32, #tpu.memory_space<hbm>>
      tpu.wait_dma2 semaphore(%run_scoped3A : memref<!tpu.dma_semaphore, #tpu.memory_space<semaphore_mem>>) src(%arg8 : memref<128x128xf32, #tpu.memory_space<vmem>>) dst(%dma_wait3A_72 : memref<128x128xf32, #tpu.memory_space<hbm>>)
      tpu.yield
    }) : () -> ()
    %mul3A_39 = arith.constant 640 : i32
    %mul3A_40 = arith.muli %arg1, %mul3A_39 : i32
    %add3A_41 = arith.constant 128 : i32
    %add3A_42 = arith.addi %mul3A_40, %add3A_41 : i32
    "tpu.region"() ({
      %run_scoped3A = tpu.sem_alloc : memref<!tpu.dma_semaphore, #tpu.memory_space<semaphore_mem>>
      %dma_start3A = arith.constant 0 : i32
      %dma_start3A_67 = tpu.memref_slice %arg9[%add3A_42, %dma_start3A] : memref<10240x128xf32, #tpu.memory_space<vmem_shared>> -> memref<128x128xf32, #tpu.memory_space<vmem_shared>>
      %dma_start3A_68 = arith.constant 0 : i32
      %dma_start3A_69 = tpu.memref_slice %arg9[%add3A_42, %dma_start3A_68] : memref<10240x128xf32, #tpu.memory_space<vmem_shared>> -> memref<128x128xf32, #tpu.memory_space<vmem_shared>>
      tpu.enqueue_dma source(%dma_start3A_69 : memref<128x128xf32, #tpu.memory_space<vmem_shared>>) target(%arg8 : memref<128x128xf32, #tpu.memory_space<vmem>>) target_semaphore(%run_scoped3A : memref<!tpu.dma_semaphore, #tpu.memory_space<semaphore_mem>>)
      %dma_wait3A = arith.constant 0 : i32
      %dma_wait3A_70 = tpu.memref_slice %arg9[%add3A_42, %dma_wait3A] : memref<10240x128xf32, #tpu.memory_space<vmem_shared>> -> memref<128x128xf32, #tpu.memory_space<vmem_shared>>
      %dma_wait3A_71 = arith.constant 0 : i32
      %dma_wait3A_72 = tpu.memref_slice %arg9[%add3A_42, %dma_wait3A_71] : memref<10240x128xf32, #tpu.memory_space<vmem_shared>> -> memref<128x128xf32, #tpu.memory_space<vmem_shared>>
      tpu.wait_dma2 semaphore(%run_scoped3A : memref<!tpu.dma_semaphore, #tpu.memory_space<semaphore_mem>>) src(%dma_wait3A_72 : memref<128x128xf32, #tpu.memory_space<vmem_shared>>) dst(%arg8 : memref<128x128xf32, #tpu.memory_space<vmem>>)
      tpu.yield
    }) : () -> ()
    %mul3A_43 = arith.constant 10240 : i32
    %mul3A_44 = arith.muli %arg0, %mul3A_43 : i32
    %add3A_45 = arith.addi %mul3A_44, %add3A_42 : i32
    "tpu.region"() ({
      %run_scoped3A = tpu.sem_alloc : memref<!tpu.dma_semaphore, #tpu.memory_space<semaphore_mem>>
      %dma_start3A = arith.constant 0 : i32
      %dma_start3A_67 = tpu.memref_slice %arg5[%add3A_45, %dma_start3A] : memref<20480x128xf32, #tpu.memory_space<hbm>> -> memref<128x128xf32, #tpu.memory_space<hbm>>
      %dma_start3A_68 = arith.constant 0 : i32
      %dma_start3A_69 = tpu.memref_slice %arg5[%add3A_45, %dma_start3A_68] : memref<20480x128xf32, #tpu.memory_space<hbm>> -> memref<128x128xf32, #tpu.memory_space<hbm>>
      tpu.enqueue_dma source(%arg8 : memref<128x128xf32, #tpu.memory_space<vmem>>) target(%dma_start3A_69 : memref<128x128xf32, #tpu.memory_space<hbm>>) target_semaphore(%run_scoped3A : memref<!tpu.dma_semaphore, #tpu.memory_space<semaphore_mem>>)
      %dma_wait3A = arith.constant 0 : i32
      %dma_wait3A_70 = tpu.memref_slice %arg5[%add3A_45, %dma_wait3A] : memref<20480x128xf32, #tpu.memory_space<hbm>> -> memref<128x128xf32, #tpu.memory_space<hbm>>
      %dma_wait3A_71 = arith.constant 0 : i32
      %dma_wait3A_72 = tpu.memref_slice %arg5[%add3A_45, %dma_wait3A_71] : memref<20480x128xf32, #tpu.memory_space<hbm>> -> memref<128x128xf32, #tpu.memory_space<hbm>>
      tpu.wait_dma2 semaphore(%run_scoped3A : memref<!tpu.dma_semaphore, #tpu.memory_space<semaphore_mem>>) src(%arg8 : memref<128x128xf32, #tpu.memory_space<vmem>>) dst(%dma_wait3A_72 : memref<128x128xf32, #tpu.memory_space<hbm>>)
      tpu.yield
    }) : () -> ()
    %mul3A_46 = arith.constant 640 : i32
    %mul3A_47 = arith.muli %arg1, %mul3A_46 : i32
    %add3A_48 = arith.constant 256 : i32
    %add3A_49 = arith.addi %mul3A_47, %add3A_48 : i32
    "tpu.region"() ({
      %run_scoped3A = tpu.sem_alloc : memref<!tpu.dma_semaphore, #tpu.memory_space<semaphore_mem>>
      %dma_start3A = arith.constant 0 : i32
      %dma_start3A_67 = tpu.memref_slice %arg9[%add3A_49, %dma_start3A] : memref<10240x128xf32, #tpu.memory_space<vmem_shared>> -> memref<128x128xf32, #tpu.memory_space<vmem_shared>>
      %dma_start3A_68 = arith.constant 0 : i32
      %dma_start3A_69 = tpu.memref_slice %arg9[%add3A_49, %dma_start3A_68] : memref<10240x128xf32, #tpu.memory_space<vmem_shared>> -> memref<128x128xf32, #tpu.memory_space<vmem_shared>>
      tpu.enqueue_dma source(%dma_start3A_69 : memref<128x128xf32, #tpu.memory_space<vmem_shared>>) target(%arg8 : memref<128x128xf32, #tpu.memory_space<vmem>>) target_semaphore(%run_scoped3A : memref<!tpu.dma_semaphore, #tpu.memory_space<semaphore_mem>>)
      %dma_wait3A = arith.constant 0 : i32
      %dma_wait3A_70 = tpu.memref_slice %arg9[%add3A_49, %dma_wait3A] : memref<10240x128xf32, #tpu.memory_space<vmem_shared>> -> memref<128x128xf32, #tpu.memory_space<vmem_shared>>
      %dma_wait3A_71 = arith.constant 0 : i32
      %dma_wait3A_72 = tpu.memref_slice %arg9[%add3A_49, %dma_wait3A_71] : memref<10240x128xf32, #tpu.memory_space<vmem_shared>> -> memref<128x128xf32, #tpu.memory_space<vmem_shared>>
      tpu.wait_dma2 semaphore(%run_scoped3A : memref<!tpu.dma_semaphore, #tpu.memory_space<semaphore_mem>>) src(%dma_wait3A_72 : memref<128x128xf32, #tpu.memory_space<vmem_shared>>) dst(%arg8 : memref<128x128xf32, #tpu.memory_space<vmem>>)
      tpu.yield
    }) : () -> ()
    %mul3A_50 = arith.constant 10240 : i32
    %mul3A_51 = arith.muli %arg0, %mul3A_50 : i32
    %add3A_52 = arith.addi %mul3A_51, %add3A_49 : i32
    "tpu.region"() ({
      %run_scoped3A = tpu.sem_alloc : memref<!tpu.dma_semaphore, #tpu.memory_space<semaphore_mem>>
      %dma_start3A = arith.constant 0 : i32
      %dma_start3A_67 = tpu.memref_slice %arg5[%add3A_52, %dma_start3A] : memref<20480x128xf32, #tpu.memory_space<hbm>> -> memref<128x128xf32, #tpu.memory_space<hbm>>
      %dma_start3A_68 = arith.constant 0 : i32
      %dma_start3A_69 = tpu.memref_slice %arg5[%add3A_52, %dma_start3A_68] : memref<20480x128xf32, #tpu.memory_space<hbm>> -> memref<128x128xf32, #tpu.memory_space<hbm>>
      tpu.enqueue_dma source(%arg8 : memref<128x128xf32, #tpu.memory_space<vmem>>) target(%dma_start3A_69 : memref<128x128xf32, #tpu.memory_space<hbm>>) target_semaphore(%run_scoped3A : memref<!tpu.dma_semaphore, #tpu.memory_space<semaphore_mem>>)
      %dma_wait3A = arith.constant 0 : i32
      %dma_wait3A_70 = tpu.memref_slice %arg5[%add3A_52, %dma_wait3A] : memref<20480x128xf32, #tpu.memory_space<hbm>> -> memref<128x128xf32, #tpu.memory_space<hbm>>
      %dma_wait3A_71 = arith.constant 0 : i32
      %dma_wait3A_72 = tpu.memref_slice %arg5[%add3A_52, %dma_wait3A_71] : memref<20480x128xf32, #tpu.memory_space<hbm>> -> memref<128x128xf32, #tpu.memory_space<hbm>>
      tpu.wait_dma2 semaphore(%run_scoped3A : memref<!tpu.dma_semaphore, #tpu.memory_space<semaphore_mem>>) src(%arg8 : memref<128x128xf32, #tpu.memory_space<vmem>>) dst(%dma_wait3A_72 : memref<128x128xf32, #tpu.memory_space<hbm>>)
      tpu.yield
    }) : () -> ()
    %mul3A_53 = arith.constant 640 : i32
    %mul3A_54 = arith.muli %arg1, %mul3A_53 : i32
    %add3A_55 = arith.constant 384 : i32
    %add3A_56 = arith.addi %mul3A_54, %add3A_55 : i32
    "tpu.region"() ({
      %run_scoped3A = tpu.sem_alloc : memref<!tpu.dma_semaphore, #tpu.memory_space<semaphore_mem>>
      %dma_start3A = arith.constant 0 : i32
      %dma_start3A_67 = tpu.memref_slice %arg9[%add3A_56, %dma_start3A] : memref<10240x128xf32, #tpu.memory_space<vmem_shared>> -> memref<128x128xf32, #tpu.memory_space<vmem_shared>>
      %dma_start3A_68 = arith.constant 0 : i32
      %dma_start3A_69 = tpu.memref_slice %arg9[%add3A_56, %dma_start3A_68] : memref<10240x128xf32, #tpu.memory_space<vmem_shared>> -> memref<128x128xf32, #tpu.memory_space<vmem_shared>>
      tpu.enqueue_dma source(%dma_start3A_69 : memref<128x128xf32, #tpu.memory_space<vmem_shared>>) target(%arg8 : memref<128x128xf32, #tpu.memory_space<vmem>>) target_semaphore(%run_scoped3A : memref<!tpu.dma_semaphore, #tpu.memory_space<semaphore_mem>>)
      %dma_wait3A = arith.constant 0 : i32
      %dma_wait3A_70 = tpu.memref_slice %arg9[%add3A_56, %dma_wait3A] : memref<10240x128xf32, #tpu.memory_space<vmem_shared>> -> memref<128x128xf32, #tpu.memory_space<vmem_shared>>
      %dma_wait3A_71 = arith.constant 0 : i32
      %dma_wait3A_72 = tpu.memref_slice %arg9[%add3A_56, %dma_wait3A_71] : memref<10240x128xf32, #tpu.memory_space<vmem_shared>> -> memref<128x128xf32, #tpu.memory_space<vmem_shared>>
      tpu.wait_dma2 semaphore(%run_scoped3A : memref<!tpu.dma_semaphore, #tpu.memory_space<semaphore_mem>>) src(%dma_wait3A_72 : memref<128x128xf32, #tpu.memory_space<vmem_shared>>) dst(%arg8 : memref<128x128xf32, #tpu.memory_space<vmem>>)
      tpu.yield
    }) : () -> ()
    %mul3A_57 = arith.constant 10240 : i32
    %mul3A_58 = arith.muli %arg0, %mul3A_57 : i32
    %add3A_59 = arith.addi %mul3A_58, %add3A_56 : i32
    "tpu.region"() ({
      %run_scoped3A = tpu.sem_alloc : memref<!tpu.dma_semaphore, #tpu.memory_space<semaphore_mem>>
      %dma_start3A = arith.constant 0 : i32
      %dma_start3A_67 = tpu.memref_slice %arg5[%add3A_59, %dma_start3A] : memref<20480x128xf32, #tpu.memory_space<hbm>> -> memref<128x128xf32, #tpu.memory_space<hbm>>
      %dma_start3A_68 = arith.constant 0 : i32
      %dma_start3A_69 = tpu.memref_slice %arg5[%add3A_59, %dma_start3A_68] : memref<20480x128xf32, #tpu.memory_space<hbm>> -> memref<128x128xf32, #tpu.memory_space<hbm>>
      tpu.enqueue_dma source(%arg8 : memref<128x128xf32, #tpu.memory_space<vmem>>) target(%dma_start3A_69 : memref<128x128xf32, #tpu.memory_space<hbm>>) target_semaphore(%run_scoped3A : memref<!tpu.dma_semaphore, #tpu.memory_space<semaphore_mem>>)
      %dma_wait3A = arith.constant 0 : i32
      %dma_wait3A_70 = tpu.memref_slice %arg5[%add3A_59, %dma_wait3A] : memref<20480x128xf32, #tpu.memory_space<hbm>> -> memref<128x128xf32, #tpu.memory_space<hbm>>
      %dma_wait3A_71 = arith.constant 0 : i32
      %dma_wait3A_72 = tpu.memref_slice %arg5[%add3A_59, %dma_wait3A_71] : memref<20480x128xf32, #tpu.memory_space<hbm>> -> memref<128x128xf32, #tpu.memory_space<hbm>>
      tpu.wait_dma2 semaphore(%run_scoped3A : memref<!tpu.dma_semaphore, #tpu.memory_space<semaphore_mem>>) src(%arg8 : memref<128x128xf32, #tpu.memory_space<vmem>>) dst(%dma_wait3A_72 : memref<128x128xf32, #tpu.memory_space<hbm>>)
      tpu.yield
    }) : () -> ()
    %mul3A_60 = arith.constant 640 : i32
    %mul3A_61 = arith.muli %arg1, %mul3A_60 : i32
    %add3A_62 = arith.constant 512 : i32
    %add3A_63 = arith.addi %mul3A_61, %add3A_62 : i32
    "tpu.region"() ({
      %run_scoped3A = tpu.sem_alloc : memref<!tpu.dma_semaphore, #tpu.memory_space<semaphore_mem>>
      %dma_start3A = arith.constant 0 : i32
      %dma_start3A_67 = tpu.memref_slice %arg9[%add3A_63, %dma_start3A] : memref<10240x128xf32, #tpu.memory_space<vmem_shared>> -> memref<128x128xf32, #tpu.memory_space<vmem_shared>>
      %dma_start3A_68 = arith.constant 0 : i32
      %dma_start3A_69 = tpu.memref_slice %arg9[%add3A_63, %dma_start3A_68] : memref<10240x128xf32, #tpu.memory_space<vmem_shared>> -> memref<128x128xf32, #tpu.memory_space<vmem_shared>>
      tpu.enqueue_dma source(%dma_start3A_69 : memref<128x128xf32, #tpu.memory_space<vmem_shared>>) target(%arg8 : memref<128x128xf32, #tpu.memory_space<vmem>>) target_semaphore(%run_scoped3A : memref<!tpu.dma_semaphore, #tpu.memory_space<semaphore_mem>>)
      %dma_wait3A = arith.constant 0 : i32
      %dma_wait3A_70 = tpu.memref_slice %arg9[%add3A_63, %dma_wait3A] : memref<10240x128xf32, #tpu.memory_space<vmem_shared>> -> memref<128x128xf32, #tpu.memory_space<vmem_shared>>
      %dma_wait3A_71 = arith.constant 0 : i32
      %dma_wait3A_72 = tpu.memref_slice %arg9[%add3A_63, %dma_wait3A_71] : memref<10240x128xf32, #tpu.memory_space<vmem_shared>> -> memref<128x128xf32, #tpu.memory_space<vmem_shared>>
      tpu.wait_dma2 semaphore(%run_scoped3A : memref<!tpu.dma_semaphore, #tpu.memory_space<semaphore_mem>>) src(%dma_wait3A_72 : memref<128x128xf32, #tpu.memory_space<vmem_shared>>) dst(%arg8 : memref<128x128xf32, #tpu.memory_space<vmem>>)
      tpu.yield
    }) : () -> ()
    %mul3A_64 = arith.constant 10240 : i32
    %mul3A_65 = arith.muli %arg0, %mul3A_64 : i32
    %add3A_66 = arith.addi %mul3A_65, %add3A_63 : i32
    "tpu.region"() ({
      %run_scoped3A = tpu.sem_alloc : memref<!tpu.dma_semaphore, #tpu.memory_space<semaphore_mem>>
      %dma_start3A = arith.constant 0 : i32
      %dma_start3A_67 = tpu.memref_slice %arg5[%add3A_66, %dma_start3A] : memref<20480x128xf32, #tpu.memory_space<hbm>> -> memref<128x128xf32, #tpu.memory_space<hbm>>
      %dma_start3A_68 = arith.constant 0 : i32
      %dma_start3A_69 = tpu.memref_slice %arg5[%add3A_66, %dma_start3A_68] : memref<20480x128xf32, #tpu.memory_space<hbm>> -> memref<128x128xf32, #tpu.memory_space<hbm>>
      tpu.enqueue_dma source(%arg8 : memref<128x128xf32, #tpu.memory_space<vmem>>) target(%dma_start3A_69 : memref<128x128xf32, #tpu.memory_space<hbm>>) target_semaphore(%run_scoped3A : memref<!tpu.dma_semaphore, #tpu.memory_space<semaphore_mem>>)
      %dma_wait3A = arith.constant 0 : i32
      %dma_wait3A_70 = tpu.memref_slice %arg5[%add3A_66, %dma_wait3A] : memref<20480x128xf32, #tpu.memory_space<hbm>> -> memref<128x128xf32, #tpu.memory_space<hbm>>
      %dma_wait3A_71 = arith.constant 0 : i32
      %dma_wait3A_72 = tpu.memref_slice %arg5[%add3A_66, %dma_wait3A_71] : memref<20480x128xf32, #tpu.memory_space<hbm>> -> memref<128x128xf32, #tpu.memory_space<hbm>>
      tpu.wait_dma2 semaphore(%run_scoped3A : memref<!tpu.dma_semaphore, #tpu.memory_space<semaphore_mem>>) src(%arg8 : memref<128x128xf32, #tpu.memory_space<vmem>>) dst(%dma_wait3A_72 : memref<128x128xf32, #tpu.memory_space<hbm>>)
      tpu.yield
    }) : () -> ()
    return
  }
}

module attributes {stable_mosaic.version = 14 : i64} {
  func.func @_tc1_body(%arg0: i32, %arg1: memref<32x512xf32, #tpu.memory_space<vmem>>, %arg2: memref<512x128xf32, #tpu.memory_space<vmem>>, %arg3: memref<128x128xf32, #tpu.memory_space<vmem>>, %arg4: memref<512x128xf32, #tpu.memory_space<vmem>>, %arg5: memref<512x128xf32, #tpu.memory_space<vmem>>) attributes {dimension_semantics = [#tpu.dimension_semantics<arbitrary>], iteration_bounds = array<i64: 20>, scalar_prefetch = 0 : i64, scratch_operands = 0 : i64, tpu.core_type = #tpu.core_type<tc>, window_params = [{transform_indices = @transform_0, window_bounds = array<i64: 32, 512>}, {transform_indices = @transform_1, window_bounds = array<i64: 512, 128>}, {pipeline_mode = #tpu.pipeline_mode<synchronous>, transform_indices = @transform_2, window_bounds = array<i64: 128, 128>}, {transform_indices = @transform_3, window_bounds = array<i64: 512, 128>}, {transform_indices = @transform_4, window_bounds = array<i64: 512, 128>}]} {
    %get3A = arith.constant 0 : index
    %get3A_0 = arith.constant 0 : index
    %get3A_1 = vector.load %arg1[%get3A, %get3A_0] : memref<32x512xf32, #tpu.memory_space<vmem>>, vector<32x512xf32>
    %reduce_sum3A = arith.constant dense<0.000000e+00> : vector<512xf32>
    %reduce_sum3A_2 = vector.multi_reduction <add>, %get3A_1, %reduce_sum3A [0] : vector<32x512xf32> to vector<512xf32>
    %add3A = arith.constant 1.000000e+00 : f32
    %add3A_3 = vector.broadcast %add3A : f32 to vector<512xf32>
    %add3A_4 = arith.addf %reduce_sum3A_2, %add3A_3 : vector<512xf32>
    %rsqrt3A = math.rsqrt %add3A_4 : vector<512xf32>
    %broadcast_in_dim3A = vector.shape_cast %rsqrt3A : vector<512xf32> to vector<512x1xf32>
    %get3A_5 = arith.constant 0 : index
    %get3A_6 = arith.constant 0 : index
    %get3A_7 = vector.load %arg2[%get3A_5, %get3A_6] : memref<512x128xf32, #tpu.memory_space<vmem>>, vector<512x128xf32>
    %get3A_8 = arith.constant 0 : index
    %get3A_9 = arith.constant 0 : index
    %get3A_10 = vector.load %arg3[%get3A_8, %get3A_9] : memref<128x128xf32, #tpu.memory_space<vmem>>, vector<128x128xf32>
    %dot_general3A = arith.constant dense<0.000000e+00> : vector<512x128xf32>
    %dot_general3A_11 = tpu.matmul %get3A_7, %get3A_10, %dot_general3A {dimension_numbers = #tpu.dot_dimension_numbers<[1], [0], [0], [1], [0, 0, 1, 1], [], []>, transpose_lhs_hint = false} : vector<512x128xf32>, vector<128x128xf32>, vector<512x128xf32> -> vector<512x128xf32>
    %mul3A = vector.broadcast %broadcast_in_dim3A : vector<512x1xf32> to vector<512x128xf32>
    %mul3A_12 = arith.mulf %dot_general3A_11, %mul3A : vector<512x128xf32>
    %swap3A = arith.constant 0 : index
    %swap3A_13 = arith.constant 0 : index
    %swap3A_14 = vector.load %arg4[%swap3A, %swap3A_13] : memref<512x128xf32, #tpu.memory_space<vmem>>, vector<512x128xf32>
    tpu.vector_store %arg4[%swap3A, %swap3A_13], %mul3A_12 {strides = array<i32>} : memref<512x128xf32, #tpu.memory_space<vmem>>, vector<512x128xf32>,
    %broadcast_in_dim3A_15 = vector.shape_cast %broadcast_in_dim3A : vector<512x1xf32> to vector<512x1xf32>
    %broadcast_in_dim3A_16 = vector.broadcast %broadcast_in_dim3A_15 : vector<512x1xf32> to vector<512x128xf32>
    %swap3A_17 = arith.constant 0 : index
    %swap3A_18 = arith.constant 0 : index
    %swap3A_19 = vector.load %arg5[%swap3A_17, %swap3A_18] : memref<512x128xf32, #tpu.memory_space<vmem>>, vector<512x128xf32>
    tpu.vector_store %arg5[%swap3A_17, %swap3A_18], %broadcast_in_dim3A_16 {strides = array<i32>} : memref<512x128xf32, #tpu.memory_space<vmem>>, vector<512x128xf32>,
    return
  }
  func.func @transform_0(%arg0: i32) -> (i32, i32) {
    %c0_i32 = arith.constant 0 : i32
    %c0_i32_0 = arith.constant 0 : i32
    return %c0_i32, %arg0 : i32, i32
  }
  func.func @transform_1(%arg0: i32) -> (i32, i32) {
    %c0_i32 = arith.constant 0 : i32
    %c0_i32_0 = arith.constant 0 : i32
    return %arg0, %c0_i32 : i32, i32
  }
  func.func @transform_2(%arg0: i32) -> (i32, i32) {
    %c0_i32 = arith.constant 0 : i32
    %c0_i32_0 = arith.constant 0 : i32
    %c0_i32_1 = arith.constant 0 : i32
    return %c0_i32, %c0_i32_0 : i32, i32
  }
  func.func @transform_3(%arg0: i32) -> (i32, i32) {
    %c0_i32 = arith.constant 0 : i32
    %c0_i32_0 = arith.constant 0 : i32
    return %arg0, %c0_i32 : i32, i32
  }
  func.func @transform_4(%arg0: i32) -> (i32, i32) {
    %c0_i32 = arith.constant 0 : i32
    %c0_i32_0 = arith.constant 0 : i32
    return %arg0, %c0_i32 : i32, i32
  }
}

module attributes {stable_mosaic.version = 14 : i64} {
  func.func @_tc3_body(%arg0: i32, %arg1: memref<2x512x128xf32, #tpu.memory_space<vmem>>, %arg2: memref<512x128xf32, #tpu.memory_space<vmem>>, %arg3: memref<512x128xf32, #tpu.memory_space<vmem>>, %arg4: memref<1x128xf32, #tpu.memory_space<vmem>>, %arg5: memref<512x128xf32, #tpu.memory_space<vmem>>) attributes {dimension_semantics = [#tpu.dimension_semantics<arbitrary>], iteration_bounds = array<i64: 20>, scalar_prefetch = 0 : i64, scratch_operands = 0 : i64, tpu.core_type = #tpu.core_type<tc>, window_params = [{transform_indices = @transform_0, window_bounds = array<i64: 2, 512, 128>}, {transform_indices = @transform_1, window_bounds = array<i64: 512, 128>}, {transform_indices = @transform_2, window_bounds = array<i64: 512, 128>}, {pipeline_mode = #tpu.pipeline_mode<synchronous>, transform_indices = @transform_3, window_bounds = array<i64: 1, 128>}, {transform_indices = @transform_4, window_bounds = array<i64: 512, 128>}]} {
    %get3A = arith.constant 0 : index
    %get3A_0 = arith.constant 0 : index
    %get3A_1 = vector.load %arg3[%get3A, %get3A_0] : memref<512x128xf32, #tpu.memory_space<vmem>>, vector<512x128xf32>
    %get3A_2 = arith.constant 0 : index
    %get3A_3 = arith.constant 0 : index
    %get3A_4 = arith.constant 0 : index
    %get3A_5 = vector.load %arg1[%get3A_2, %get3A_3, %get3A_4] : memref<2x512x128xf32, #tpu.memory_space<vmem>>, vector<1x512x128xf32>
    %get3A_6 = vector.shape_cast %get3A_5 : vector<1x512x128xf32> to vector<512x128xf32>
    %get3A_7 = arith.constant 1 : index
    %get3A_8 = arith.constant 0 : index
    %get3A_9 = arith.constant 0 : index
    %get3A_10 = vector.load %arg1[%get3A_7, %get3A_8, %get3A_9] : memref<2x512x128xf32, #tpu.memory_space<vmem>>, vector<1x512x128xf32>
    %get3A_11 = vector.shape_cast %get3A_10 : vector<1x512x128xf32> to vector<512x128xf32>
    %add3A = arith.addf %get3A_6, %get3A_11 : vector<512x128xf32>
    %get3A_12 = arith.constant 0 : index
    %get3A_13 = arith.constant 0 : index
    %get3A_14 = vector.load %arg2[%get3A_12, %get3A_13] : memref<512x128xf32, #tpu.memory_space<vmem>>, vector<512x128xf32>
    %add3A_15 = arith.addf %add3A, %get3A_14 : vector<512x128xf32>
    %mul3A = arith.mulf %get3A_1, %add3A_15 : vector<512x128xf32>
    %get3A_16 = arith.constant 0 : index
    %get3A_17 = arith.constant 0 : index
    %get3A_18 = vector.load %arg4[%get3A_16, %get3A_17] : memref<1x128xf32, #tpu.memory_space<vmem>>, vector<1x128xf32>
    %add3A_19 = vector.broadcast %get3A_18 : vector<1x128xf32> to vector<512x128xf32>
    %add3A_20 = arith.addf %mul3A, %add3A_19 : vector<512x128xf32>
    %swap3A = arith.constant 0 : index
    %swap3A_21 = arith.constant 0 : index
    %swap3A_22 = vector.load %arg5[%swap3A, %swap3A_21] : memref<512x128xf32, #tpu.memory_space<vmem>>, vector<512x128xf32>
    tpu.vector_store %arg5[%swap3A, %swap3A_21], %add3A_20 {strides = array<i32>} : memref<512x128xf32, #tpu.memory_space<vmem>>, vector<512x128xf32>,
    return
  }
  func.func @transform_0(%arg0: i32) -> (i32, i32, i32) {
    %c0_i32 = arith.constant 0 : i32
    %c0_i32_0 = arith.constant 0 : i32
    %c0_i32_1 = arith.constant 0 : i32
    return %c0_i32, %arg0, %c0_i32_0 : i32, i32, i32
  }
  func.func @transform_1(%arg0: i32) -> (i32, i32) {
    %c0_i32 = arith.constant 0 : i32
    %c0_i32_0 = arith.constant 0 : i32
    return %arg0, %c0_i32 : i32, i32
  }
  func.func @transform_2(%arg0: i32) -> (i32, i32) {
    %c0_i32 = arith.constant 0 : i32
    %c0_i32_0 = arith.constant 0 : i32
    return %arg0, %c0_i32 : i32, i32
  }
  func.func @transform_3(%arg0: i32) -> (i32, i32) {
    %c0_i32 = arith.constant 0 : i32
    %c0_i32_0 = arith.constant 0 : i32
    %c0_i32_1 = arith.constant 0 : i32
    return %c0_i32, %c0_i32_0 : i32, i32
  }
  func.func @transform_4(%arg0: i32) -> (i32, i32) {
    %c0_i32 = arith.constant 0 : i32
    %c0_i32_0 = arith.constant 0 : i32
    return %arg0, %c0_i32 : i32, i32
  }
}

module attributes {stable_mosaic.version = 14 : i64} {
  func.func @_tc2_body(%arg0: i32, %arg1: memref<2x512x128xf32, #tpu.memory_space<vmem>>, %arg2: memref<512x128xf32, #tpu.memory_space<vmem>>, %arg3: memref<512x128xf32, #tpu.memory_space<vmem>>, %arg4: memref<128x128xf32, #tpu.memory_space<vmem>>, %arg5: memref<1x128xf32, #tpu.memory_space<vmem>>, %arg6: memref<1x128xf32, #tpu.memory_space<vmem>>, %arg7: memref<1x128xf32, #tpu.memory_space<vmem>>, %arg8: memref<512x128xf32, #tpu.memory_space<vmem>>) attributes {dimension_semantics = [#tpu.dimension_semantics<arbitrary>], iteration_bounds = array<i64: 20>, scalar_prefetch = 0 : i64, scratch_operands = 0 : i64, tpu.core_type = #tpu.core_type<tc>, window_params = [{transform_indices = @transform_0, window_bounds = array<i64: 2, 512, 128>}, {transform_indices = @transform_1, window_bounds = array<i64: 512, 128>}, {transform_indices = @transform_2, window_bounds = array<i64: 512, 128>}, {pipeline_mode = #tpu.pipeline_mode<synchronous>, transform_indices = @transform_3, window_bounds = array<i64: 128, 128>}, {pipeline_mode = #tpu.pipeline_mode<synchronous>, transform_indices = @transform_4, window_bounds = array<i64: 1, 128>}, {pipeline_mode = #tpu.pipeline_mode<synchronous>, transform_indices = @transform_5, window_bounds = array<i64: 1, 128>}, {pipeline_mode = #tpu.pipeline_mode<synchronous>, transform_indices = @transform_6, window_bounds = array<i64: 1, 128>}, {transform_indices = @transform_7, window_bounds = array<i64: 512, 128>}]} {
    %get3A = arith.constant 0 : index
    %get3A_0 = arith.constant 0 : index
    %get3A_1 = arith.constant 0 : index
    %get3A_2 = vector.load %arg1[%get3A, %get3A_0, %get3A_1] : memref<2x512x128xf32, #tpu.memory_space<vmem>>, vector<1x512x128xf32>
    %get3A_3 = vector.shape_cast %get3A_2 : vector<1x512x128xf32> to vector<512x128xf32>
    %get3A_4 = arith.constant 1 : index
    %get3A_5 = arith.constant 0 : index
    %get3A_6 = arith.constant 0 : index
    %get3A_7 = vector.load %arg1[%get3A_4, %get3A_5, %get3A_6] : memref<2x512x128xf32, #tpu.memory_space<vmem>>, vector<1x512x128xf32>
    %get3A_8 = vector.shape_cast %get3A_7 : vector<1x512x128xf32> to vector<512x128xf32>
    %add3A = arith.addf %get3A_3, %get3A_8 : vector<512x128xf32>
    %get3A_9 = arith.constant 0 : index
    %get3A_10 = arith.constant 0 : index
    %get3A_11 = vector.load %arg2[%get3A_9, %get3A_10] : memref<512x128xf32, #tpu.memory_space<vmem>>, vector<512x128xf32>
    %add3A_12 = arith.addf %add3A, %get3A_11 : vector<512x128xf32>
    %get3A_13 = arith.constant 0 : index
    %get3A_14 = arith.constant 0 : index
    %get3A_15 = vector.load %arg3[%get3A_13, %get3A_14] : memref<512x128xf32, #tpu.memory_space<vmem>>, vector<512x128xf32>
    %mul3A = arith.mulf %get3A_15, %add3A_12 : vector<512x128xf32>
    %get3A_16 = arith.constant 0 : index
    %get3A_17 = arith.constant 0 : index
    %get3A_18 = vector.load %arg5[%get3A_16, %get3A_17] : memref<1x128xf32, #tpu.memory_space<vmem>>, vector<1x128xf32>
    %add3A_19 = vector.broadcast %get3A_18 : vector<1x128xf32> to vector<512x128xf32>
    %add3A_20 = arith.addf %mul3A, %add3A_19 : vector<512x128xf32>
    %get3A_21 = arith.constant 0 : index
    %get3A_22 = arith.constant 0 : index
    %get3A_23 = vector.load %arg6[%get3A_21, %get3A_22] : memref<1x128xf32, #tpu.memory_space<vmem>>, vector<1x128xf32>
    %mul3A_24 = vector.broadcast %get3A_23 : vector<1x128xf32> to vector<512x128xf32>
    %mul3A_25 = arith.mulf %add3A_20, %mul3A_24 : vector<512x128xf32>
    %get3A_26 = arith.constant 0 : index
    %get3A_27 = arith.constant 0 : index
    %get3A_28 = vector.load %arg7[%get3A_26, %get3A_27] : memref<1x128xf32, #tpu.memory_space<vmem>>, vector<1x128xf32>
    %add3A_29 = vector.broadcast %get3A_28 : vector<1x128xf32> to vector<512x128xf32>
    %add3A_30 = arith.addf %mul3A_25, %add3A_29 : vector<512x128xf32>
    %max3A = arith.constant 0.000000e+00 : f32
    %max3A_31 = vector.broadcast %max3A : f32 to vector<512x128xf32>
    %max3A_32 = arith.maximumf %add3A_30, %max3A_31 : vector<512x128xf32>
    %get3A_33 = arith.constant 0 : index
    %get3A_34 = arith.constant 0 : index
    %get3A_35 = vector.load %arg4[%get3A_33, %get3A_34] : memref<128x128xf32, #tpu.memory_space<vmem>>, vector<128x128xf32>
    %dot_general3A = arith.constant dense<0.000000e+00> : vector<512x128xf32>
    %dot_general3A_36 = tpu.matmul %max3A_32, %get3A_35, %dot_general3A {dimension_numbers = #tpu.dot_dimension_numbers<[1], [0], [0], [1], [0, 0, 1, 1], [], []>, transpose_lhs_hint = false} : vector<512x128xf32>, vector<128x128xf32>, vector<512x128xf32> -> vector<512x128xf32>
    %mul3A_37 = arith.mulf %get3A_15, %dot_general3A_36 : vector<512x128xf32>
    %swap3A = arith.constant 0 : index
    %swap3A_38 = arith.constant 0 : index
    %swap3A_39 = vector.load %arg8[%swap3A, %swap3A_38] : memref<512x128xf32, #tpu.memory_space<vmem>>, vector<512x128xf32>
    tpu.vector_store %arg8[%swap3A, %swap3A_38], %mul3A_37 {strides = array<i32>} : memref<512x128xf32, #tpu.memory_space<vmem>>, vector<512x128xf32>,
    return
  }
  func.func @transform_0(%arg0: i32) -> (i32, i32, i32) {
    %c0_i32 = arith.constant 0 : i32
    %c0_i32_0 = arith.constant 0 : i32
    %c0_i32_1 = arith.constant 0 : i32
    return %c0_i32, %arg0, %c0_i32_0 : i32, i32, i32
  }
  func.func @transform_1(%arg0: i32) -> (i32, i32) {
    %c0_i32 = arith.constant 0 : i32
    %c0_i32_0 = arith.constant 0 : i32
    return %arg0, %c0_i32 : i32, i32
  }
  func.func @transform_2(%arg0: i32) -> (i32, i32) {
    %c0_i32 = arith.constant 0 : i32
    %c0_i32_0 = arith.constant 0 : i32
    return %arg0, %c0_i32 : i32, i32
  }
  func.func @transform_3(%arg0: i32) -> (i32, i32) {
    %c0_i32 = arith.constant 0 : i32
    %c0_i32_0 = arith.constant 0 : i32
    %c0_i32_1 = arith.constant 0 : i32
    return %c0_i32, %c0_i32_0 : i32, i32
  }
  func.func @transform_4(%arg0: i32) -> (i32, i32) {
    %c0_i32 = arith.constant 0 : i32
    %c0_i32_0 = arith.constant 0 : i32
    %c0_i32_1 = arith.constant 0 : i32
    return %c0_i32, %c0_i32_0 : i32, i32
  }
  func.func @transform_5(%arg0: i32) -> (i32, i32) {
    %c0_i32 = arith.constant 0 : i32
    %c0_i32_0 = arith.constant 0 : i32
    %c0_i32_1 = arith.constant 0 : i32
    return %c0_i32, %c0_i32_0 : i32, i32
  }
  func.func @transform_6(%arg0: i32) -> (i32, i32) {
    %c0_i32 = arith.constant 0 : i32
    %c0_i32_0 = arith.constant 0 : i32
    %c0_i32_1 = arith.constant 0 : i32
    return %c0_i32, %c0_i32_0 : i32, i32
  }
  func.func @transform_7(%arg0: i32) -> (i32, i32) {
    %c0_i32 = arith.constant 0 : i32
    %c0_i32_0 = arith.constant 0 : i32
    return %arg0, %c0_i32 : i32, i32
  }
}

</mosaic_0001>

<sc_bundles>
// kernel: kernel.11.cloned.1.call-start
scs
__scs_entry_jumppad:
0x0: {  	(pc) =	sbr.rel $0x88, $3  }
0x1: {  	(tag) =	ssettag $0x0;
	lr =	simm.s32 $0x1  }
0x2: {  	[smem:$0x3F99] =	sst lr;
	_ =	strace $0xD0000000  }
0x3: {  	_ = 	snop  }
0x4: {  	_ = 	snop  }
0x5: {  	_ = 	snop  }
0x6: {  	_ = 	snop  }
0x7: {  	_ = 	snop  }
__scs_overlays_trampoline_lowered:
0x8: {  	[smem:$0x3FA8] =	sst s0  }
0x9: {  	[smem:$0x3FA9] =	sst s1  }
0xa: {  	[smem:$0x3FAA] =	sst s2  }
0xb: {  	[smem:$0x3FAB] =	sst s3  }
0xc: {  	[smem:$0x3FAC] =	sst s4  }
0xd: {  	[smem:$0x3FAD] =	sst s5  }
0xe: {  	[smem:$0x3FAE] =	sst s6  }
0xf: {  	[smem:$0x3FAF] =	sst s7  }
0x10: {  	[smem:$0x3FB0] =	sst s8  }
0x11: {  	[smem:$0x3FB1] =	sst s9;
	s0 =	simm.s32 @!p0 $0x0  }
0x12: {  	s1 =	sld [smem:$0x3F97];
	s0 =	simm.s32 @p0 $0x1  }
0x13: {  	[smem:$0x3FB2] =	sst s0;
	s0 =	simm.s32 @!p1 $0x0  }
0x14: {  	s2 =	sld [smem:$0x3F96];
	s0 =	simm.s32 @p1 $0x1  }
0x15: {  	[smem:$0x3FB3] =	sst s0;
	s0 =	simm.s32 @!p2 $0x0  }
0x16: {  	s3 =	sld [smem:$0x3FDB];
	s0 =	simm.s32 @p2 $0x1  }
0x17: {  	s4 =	simm.s32 $0x1BF5;
	[smem:$0x3FB5] =	sst s0  }
0x18: {  	s0 =	sld [smem:$0x3F98];
	_ =	swait.ge [sflag:s4], $0x0  }
0x19: {  	s7 =	sld [smem:$0x3F99]  }
0x1a: {  	s8 =	sadd.s32 $0xFFFFE003, lr  }
0x1b: {  	s9 =	sadd.s32 $0xFFFFFEF7, lr;
	s5 =	simm.s32 $0xFFFFFFFF;
	p2 =	slt.u32 s8, $0xFFFFF086  }
0x1c: {  	p1 =	slt.u32 s9, $0xF7A;
	s5 =	simm.s32 @!p2 $0x0  }
0x1d: {  	s5 =	simm.s32 @p1 $0x1;
	p0 =	seq.s32 s7, s2  }
0x1e: {  	s7 =	smul.u32 @!p0 $0xF7A, s2;
	p2 =	seq.s32 @!p0 s5, $0x0  }
0x1f: {  	s9 =	smul.u32 $0xF7A, s1;
	s8 =	simm.s32 @!p0 $0x1BF5;
	p2 =	por !p2, p0  }
0x20: {  	[sflag:s8] =	ssyncset.s32 @!p0 $0xFFFFF086;
	s6 =	sadd.s32 @!p0 s3, s7;
	s7 =	simm.s32 @!p0 $0x108  }
0x21: {  	s3 =	sadd.s32 s3, s9;
	s6 =	sadd.s32 @!p0 $0x88, s6;
	s7 =	simm.s32 @p2 $0x1082  }
0x22: {  	[simem:s7], [sflag:s8] =	dma.local @!p0 [hbm:s6], $0xF7A  }
0x23: {  	s9 =	sor.u32 $0xD0000000, s2;
	s6 =	simm.s32 $0x108;
	_ =	swait.ge @!p0 [sflag:s8], $0x0  }
0x24: {  	s3 =	sadd.s32 $0x88, s3;
	s6 =	simm.s32 @!p1 $0x1082;
	[sflag:s4] =	ssyncset.s32 $0xFFFFF086  }
0x25: {  	[simem:s6], [sflag:s4] =	dma.local [hbm:s3], $0xF7A  }
0x26: {  	[smem:$0x3F99] =	sst s1;
	(tag) =	ssettag s2;
	_ =	strace s9  }
0x27: {  	s1 =	sld [smem:$0x3FA9]  }
0x28: {  	s2 =	sld [smem:$0x3FAA]  }
0x29: {  	s4 =	sld [smem:$0x3FAC]  }
0x2a: {  	p0 =	seq.s32 s5, $0x0;
	s5 =	sld [smem:$0x3FAD]  }
0x2b: {  	s6 =	sld [smem:$0x3FAE]  }
0x2c: {  	s7 =	sld [smem:$0x3FAF]  }
0x2d: {  	s3 =	simm.s32 $0x108;
	s8 =	sld [smem:$0x3FB0]  }
0x2e: {  	s3 =	simm.s32 @!p0 $0x1082;
	s9 =	sld [smem:$0x3FB1]  }
0x2f: {  	lr =	sadd.s32 s0, s3;
	s0 =	sld [smem:$0x3FA8]  }
0x30: {  	s3 =	sld [smem:$0x3FAB]  }
0x31: {  	[smem:$0x3FB4] =	sst s10  }
0x32: {  	s10 =	sld [smem:$0x3FB2];
	_ =	sdelay $0x3  }
0x33: {  	p0 =	seq.s32 s10, $0x1;
	s10 =	sld [smem:$0x3FB4];
	_ =	sdelay $0x3  }
0x34: {  	[smem:$0x3FB4] =	sst s10  }
0x35: {  	s10 =	sld [smem:$0x3FB3];
	_ =	sdelay $0x3  }
0x36: {  	p1 =	seq.s32 s10, $0x1;
	s10 =	sld [smem:$0x3FB4];
	_ =	sdelay $0x3  }
0x37: {  	[smem:$0x3FB4] =	sst s10  }
0x38: {  	s10 =	sld [smem:$0x3FB5]  }
0x39: {  	_ = 	snop;
	(pc) =	sbr.ind lr, $3  }
0x3a: {  	_ = 	snop  }
0x3b: {  	_ = 	snop  }
0x3c: {  	p2 =	seq.s32 s10, $0x1;
	s10 =	sld [smem:$0x3FB4]  }
0x3d: {  	_ =	shalt  }
0x3e: {  	_ =	shalt  }
0x3f: {  	_ =	shalt  }
0x40: {  	_ =	shalt  }
0x41: {  	_ =	shalt  }
0x42: {  	_ =	shalt  }
0x43: {  	_ =	shalt  }
0x44: {  	_ =	shalt  }
0x45: {  	_ =	shalt  }
0x46: {  	_ =	shalt  }
0x47: {  	_ =	shalt  }
0x48: {  	_ =	shalt  }
0x49: {  	_ =	shalt  }
0x4a: {  	_ =	shalt  }
0x4b: {  	_ =	shalt  }
0x4c: {  	_ =	shalt  }
0x4d: {  	_ =	shalt  }
0x4e: {  	_ =	shalt  }
0x4f: {  	_ =	shalt  }
0x50: {  	_ =	shalt  }
0x51: {  	_ =	shalt  }
0x52: {  	_ =	shalt  }
0x53: {  	_ =	shalt  }
0x54: {  	_ =	shalt  }
0x55: {  	_ =	shalt  }
0x56: {  	_ =	shalt  }
0x57: {  	_ =	shalt  }
0x58: {  	_ =	shalt  }
0x59: {  	_ =	shalt  }
0x5a: {  	_ =	shalt  }
0x5b: {  	_ =	shalt  }
0x5c: {  	_ =	shalt  }
0x5d: {  	_ =	shalt  }
0x5e: {  	_ =	shalt  }
0x5f: {  	_ =	shalt  }
0x60: {  	_ =	shalt  }
0x61: {  	_ =	shalt  }
0x62: {  	_ =	shalt  }
0x63: {  	_ =	shalt  }
0x64: {  	_ =	shalt  }
0x65: {  	_ =	shalt  }
0x66: {  	_ =	shalt  }
0x67: {  	_ =	shalt  }
0x68: {  	_ =	shalt  }
0x69: {  	_ =	shalt  }
0x6a: {  	_ =	shalt  }
0x6b: {  	_ =	shalt  }
0x6c: {  	_ =	shalt  }
0x6d: {  	_ =	shalt  }
0x6e: {  	_ =	shalt  }
0x6f: {  	_ =	shalt  }
0x70: {  	_ =	shalt  }
0x71: {  	_ =	shalt  }
0x72: {  	_ =	shalt  }
0x73: {  	_ =	shalt  }
0x74: {  	_ =	shalt  }
0x75: {  	_ =	shalt  }
0x76: {  	_ =	shalt  }
0x77: {  	_ =	shalt  }
0x78: {  	_ =	shalt  }
0x79: {  	_ =	shalt  }
0x7a: {  	_ =	shalt  }
0x7b: {  	_ =	shalt  }
0x7c: {  	_ =	shalt  }
0x7d: {  	_ =	shalt  }
0x7e: {  	_ =	shalt  }
0x7f: {  	_ =	shalt  }
0x80: {  	_ =	shalt  }
0x81: {  	_ =	shalt  }
0x82: {  	_ =	shalt  }
0x83: {  	_ =	shalt  }
0x84: {  	_ =	shalt  }
0x85: {  	_ =	shalt  }
0x86: {  	_ =	shalt  }
0x87: {  	_ =	shalt  }
.Lfunc_end0:
.L_simem_size_0:
called_computation.1_lowered:
.L_overlay_start_0:
0x88: {  	s2 =	sld [smem:$0x3FD9]  }
0x89: {  	s3 =	sld [smem:$0x3FFE];
	_ =	sdelay $0x1  }
0x8a: {  	s1 =	srdreg.scid  }
0x8b: {  	s0 =	sand.u32 $0x1, s1  }
0x8c: {  	s16 =	sshll.u32 s0, $0xA;
	s2 =	sadd.s32 s3, s2  }
0x8d: {  	s2 =	sadd.s32 s2, s16  }
0x8e: {  	[smem:$0x3FC0] =	sst s2  }
0x8f: {  	_ = 	snop  }
0x90: {  	(tm) =	ssettm $0x1  }
0x91: {  	s17 =	sld [smem:$0x3FFB];
	_ =	sdelay $0x3  }
0x92: {  	_ =	strace s17  }
0x93: {  	s2 =	sld [smem:$0x3FFC];
	_ =	sdelay $0x3  }
0x94: {  	_ =	strace s2  }
0x95: {  	s2 =	sld [smem:$0x3FFD];
	_ =	sdelay $0x3  }
0x96: {  	_ =	strace s2  }
0x97: {  	_ =	strace $0x8FFFFFFF  }
0x98: {  	s18 =	sld [smem:$0x3FDB];
	_ =	sdelay $0x1  }
0x99: {  	s19 =	simm.s32 $_scs_section_size  }
0x9a: {  	s4 =	simm.s32 $_size__tile_overlayer_lowered;
	s5 =	simm.s32 $_tile_overlayer_lowered  }
0x9b: {  	s22 =	simm.s32 $0x1BFF;
	s21 =	sshll.u32 s5, $0x1;
	s2 =	sadd.s32 s19, s18  }
0x9c: {  	s6 =	simm.s32 $0x0;
	s20 =	sshll.u32 s4, $0x1;
	s4 =	sadd.s32 s21, s2  }
0x9d: {  	[timem:s6], [sflag:s22] =	dma.local [hbm:s4], s20  }
0x9e: {  	_ =	swait.ge [sflag:s22], s20  }
0x9f: {  	s3 =	ssub.s32 $0x0, s20;
	[sflag:s22] =	ssyncset.done $0x0  }
0xa0: {  	[sflag:s22] =	ssyncadd.s32 s3;
	_ =	sdelay $0x1  }
0xa1: {  	s23 =	simm.s32 $0x1B8B  }
0xa2: {  	_ =	swait.ge [sflag:s23], $0x1  }
0xa3: {  	[sflag:s23] =	ssyncset.done $0x0  }
0xa4: {  	s25 =	simm.s32 $0x1B8E;
	s24 =	sld [smem:$0x3FFE];
	[sflag:s23] =	ssyncadd.s32 $0xFFFFFFFF  }
0xa5: {  	s26 =	simm.s32 $execute0_lowered;
	[smem:$0x3FD2] =	sst s25  }
0xa6: {  	s4 =	sshll.u32 s26, $0x1;
	_ =	strace $0x80000049;
	[dreg:$0x1] =	wrdreg $0xFFFFFFFF  }
0xa7: {  	s28 =	simm.s32 $_size_execute0_lowered;
	s2 =	sadd.s32 s2, s4;
	[dreg:$0x0] =	wrdreg $0x0  }
0xa8: {  	s4 =	sshll.u32 s28, $0x1;
	[dreg:$0x2] =	wrdreg s2  }
0xa9: {  	[dreg:$0x3] =	wrdreg s4  }
0xaa: {  	[dreg:$0x4] =	wrdreg $0xC0  }
0xab: {  	_ =	task [dreg:s6], $0x5FFFF  }
0xac: {  	[dreg:$0x1] =	wrdreg $0xFFFFFFFF  }
0xad: {  	[dreg:$0x0] =	wrdreg $0x60  }
0xae: {  	[dreg:$0x2] =	wrdreg s24  }
0xaf: {  	[dreg:$0x3] =	wrdreg $0x41000  }
0xb0: {  	[dreg:$0x4] =	wrdreg $0x9  }
0xb1: {  	_ =	task.clear_ibuf [dreg:s6], $0x5FFFF;
	_ =	strace $0x90000049  }
0xb2: {  	s29 =	simm.s32 $0x9;
	_ =	strace $0x8000004B  }
0xb3: {  	_ =	swait.ge [sflag:s29], $0x1  }
0xb4: {  	[sflag:s29] =	ssyncadd.s32 $0xFFFFFFFF  }
0xb5: {  	_ =	strace $0x9000004B  }
0xb6: {  	_ =	sfence  }
0xb7: {  	s30 =	sld [smem:$0x0];
	_ =	sdelay $0x2  }
0xb8: {  	s31 =	sshll.u32 s1, $0xD;
	s1 =	sshrl.u32 s1, $0x2  }
0xb9: {  	s3 =	sand.u32 $0x4000, s31;
	s1 =	sadd.s32 s1, s30  }
0xba: {  	s0 =	sor.u32 s3, s0;
	s1 =	sshll.u32 s1, $0x11  }
0xbb: {  	s0 =	sor.u32 s1, s0  }
0xbc: {  	s0 =	sadd.s32 $0x8F2B, s0  }
0xbd: {  	[sflag:s0] =	ssyncadd.remote.s32 $0x1  }
0xbe: {  	_ =	sfence.sel $0xFFFF  }
0xbf: {  	[dreg:$0x0] =	wrdreg $0xFFFFFFFF;
	(pc) =	sbr.abs _section_cstart, $3  }
0xc0: {  	[dreg:$0x1] =	wrdreg $0xFFFFFFFF  }
0xc1: {  	_ =	task.clear_ibuf [dreg:s6], $0x2FFFF;
	_ =	strace $0x9FFFFFFF  }
0xc2: {  	(tm) =	ssettm $0x7FFFFFFF  }
0xc3: {  	_ =	shalt  }
tec
execute0_lowered:
.L_overlay_start_1:
0x0: {  	(tag) =	ssettag $0x1  }
0x1: {  	s5 =	rddreg [dreg:$0x0]  }
0x2: {  	s2 =	rddreg [dreg:$0x1]  }
0x3: {  	s0 =	rddreg [dreg:$0x2];
	s1 =	stileid.u32  }
0x4: {  	s3 =	simm.s32 $0x0;
	s7 =	srdreg.scid;
	s6 =	smul.u32 $0x9E0, s1  }
0x5: {  	[smem:$0x7FF] =	sst s3;
	s9 =	smul.u32 $0x280, s1;
	s4 =	sadd.s32 $0x16400, s5  }
0x6: {  	s12 =	sand.u32 $0x1, s7;
	s20 =	smul.u32 $0x50000, s1;
	s15 =	sadd.s32 $0x3E400, s5  }
0x7: {  	_ =	strace $0x8000004A;
	s21 =	ssub.s32 $0x2, s12;
	s18 =	smul.u32 $0x2800, s12  }
0x8: {  	s28 =	smul.u32 $0x4F0, s12;
	s14 =	sadd.s32 s6, s5;
	s22 =	sshrl.u32 s21, $0x1  }
0x9: {  	s7 =	sshrl.u32 s20, $0x2;
	s10 =	sadd.s32 $0x80, s9;
	s13 =	sadd.s32 $0x100, s9  }
0xa: {  	s17 =	sadd.s32 $0x180, s9;
	s19 =	sadd.s32 $0x200, s9;
	s16 =	ssub.s32 s21, s22  }
0xb: {  	s5 =	sadd.s32 s7, s2;
	s23 =	sshll.u32 s10, $0x7;
	s24 =	sshll.u32 s13, $0x7  }
0xc: {  	s8 =	sshll.u32 s17, $0x7;
	s11 =	sshll.u32 s19, $0x7;
	s20 =	sadd.s32 s9, s18  }
0xd: {  	s10 =	sadd.s32 s18, s10;
	s13 =	sadd.s32 s18, s13;
	s17 =	sadd.s32 s18, s17  }
0xe: {  	s30 =	sadd.s32 s18, s19;
	s31 =	sadd.s32 s28, s14;
	s18 =	simm.s32 $0x100  }
0xf: {  	s19 =	simm.s32 $0x2;
	s21 =	simm.s32 $0x1;
	s22 =	simm.s32 $0x0  }
0x10: {  	s6 =	sadd.s32 s23, s2;
	s7 =	sadd.s32 s24, s2;
	s8 =	sadd.s32 s8, s2  }
0x11: {  	s9 =	sadd.s32 s11, s2;
	s25 =	sshll.u32 s20, $0x4;
	s26 =	sshll.u32 s10, $0x4  }
0x12: {  	s13 =	sshll.u32 s13, $0x4;
	s29 =	sshll.u32 s17, $0x4;
	s17 =	sshll.u32 s30, $0x4  }
0x13: {  	s20 =	simm.s32 $0x80;
	s10 =	sadd.s32 s15, s25;
	s11 =	sadd.s32 s15, s26  }
0x14: {  	s12 =	sadd.s32 s15, s13;
	s13 =	sadd.s32 s15, s29;
	s14 =	sadd.s32 s15, s17  }
0x15: {  	v0 =	vimm.f32 $0.0e+00;
	s15 =	smax.u32 s16, $0x1;
	s16 =	sadd.s32 $0x2800, s31;
	s17 =	sadd.s32 $0xC600, s31  }
.LBB2_1:
0x16: {  	s23 =	sand.u32 $0xFE00, s3  }
0x17: {  	s24 =	sand.u32 $0x70, s3;
	s25 =	sshrl.u32 s23, $0x2  }
0x18: {  	s23 =	simm.s32 $0x40;
	s25 =	sor.u32 s24, s25;
	s24 =	simm.s32 $0x0  }
.LBB2_2:
0x19: {  	p0 =	sne.s32 s23, $0xFFC0  }
0x1a: {  	[tilespmem:s25+$0x100] =	vst v0;
	s24 =	sadd.s32 $0x10, s24;
	s25 =	smov.u32 s23;
	s23 =	sadd.s32 $0x40, s23  }
.Ltmp0:
0x1b: {  	(pc) =	sbr.rel @p0 .LBB2_2-.Ltmp0, $4  }
0x1c: {  	_ = 	snop  }
0x1d: {  	s25 =	sand.u32 $0xFE00, s25  }
0x1e: {  	s26 =	sand.u32 $0x70, s24;
	s25 =	sshrl.u32 s25, $0x2  }
0x1f: {  	s25 =	sor.u32 s26, s25  }
0x20: {  	[tilespmem:s25+$0x100] =	vst v0  }
0x21: {  	[spmem:s5] =	stream.linear.scatter [tilespmem:s18], [sflag:$0x2], $0x4000, $0x38;
	[tilespmem:$0x18100] =	vst v63  }
0x22: {  	_ =	swait.ge [sflag:s19], $0x4000  }
0x23: {  	[sflag:s19] =	ssyncset.done $0x0  }
0x24: {  	[sflag:s19] =	ssyncadd.s32 $0xFFFFC000  }
0x25: {  	[spmem:s6] =	stream.linear.scatter [tilespmem:s18], [sflag:$0x2], $0x4000, $0x38;
	[tilespmem:$0x18100] =	vst v63  }
0x26: {  	_ =	swait.ge [sflag:s19], $0x4000  }
0x27: {  	[sflag:s19] =	ssyncset.done $0x0  }
0x28: {  	[sflag:s19] =	ssyncadd.s32 $0xFFFFC000  }
0x29: {  	[spmem:s7] =	stream.linear.scatter [tilespmem:s18], [sflag:$0x2], $0x4000, $0x38;
	[tilespmem:$0x18100] =	vst v63  }
0x2a: {  	_ =	swait.ge [sflag:s19], $0x4000  }
0x2b: {  	[sflag:s19] =	ssyncset.done $0x0  }
0x2c: {  	[sflag:s19] =	ssyncadd.s32 $0xFFFFC000  }
0x2d: {  	[spmem:s8] =	stream.linear.scatter [tilespmem:s18], [sflag:$0x2], $0x4000, $0x38;
	[tilespmem:$0x18100] =	vst v63  }
0x2e: {  	_ =	swait.ge [sflag:s19], $0x4000  }
0x2f: {  	[sflag:s19] =	ssyncset.done $0x0  }
0x30: {  	[sflag:s19] =	ssyncadd.s32 $0xFFFFC000  }
0x31: {  	[spmem:s9] =	stream.linear.scatter [tilespmem:s18], [sflag:$0x2], $0x4000, $0x38;
	[tilespmem:$0x18100] =	vst v63  }
0x32: {  	_ =	swait.ge [sflag:s19], $0x4000  }
0x33: {  	[sflag:s19] =	ssyncset.done $0x0  }
0x34: {  	[sflag:s19] =	ssyncadd.s32 $0xFFFFC000  }
0x35: {  	s23 =	sadd.s32 $0x0, s17;
	[bflag:$0x0] =	sbarrier.arrive $0xFFFF  }
0x36: {  	[tilespmem:s3], [sflag:$0x2] =	stream.linear.gather [hbm4b:s23+s3], $0x80, $0x38;
	[tilespmem:$0x18100] =	vst v63  }
0x37: {  	_ =	swait.ge [sflag:s19], $0x80  }
0x38: {  	[sflag:s19] =	ssyncset.done $0x0  }
0x39: {  	s31 =	sadd.s32 $0x0, s16;
	[sflag:s19] =	ssyncadd.s32 $0xFFFFFF80  }
0x3a: {  	[tilespmem:s20], [sflag:$0x2] =	stream.linear.gather [hbm4b:s31+s3], $0x80, $0x38;
	[tilespmem:$0x18100] =	vst v63  }
0x3b: {  	_ =	swait.ge [sflag:s19], $0x80  }
0x3c: {  	[sflag:s19] =	ssyncset.done $0x0  }
0x3d: {  	[sflag:s19] =	ssyncadd.s32 $0xFFFFFF80  }
0x3e: {  	[tilespmem:s18], [sflag:$0x1] =	stream.indirect.gather [hbm4b:s4+s20], $0x80, s3, s20, $0xb8;
	[tilespmem:$0x18100] =	vst v63  }
0x3f: {  	_ =	swait.ge [sflag:s21], $0x4000  }
0x40: {  	[sflag:s21] =	ssyncset.done $0x0  }
0x41: {  	[sflag:s21] =	ssyncadd.s32 $0xFFFFC000  }
0x42: {  	[spmem:s2] =	stream.indirect.scatter.add.f32 [tilespmem:s18], [sflag:$0x2], $0x80, s20, s20, $0xb8;
	[tilespmem:$0x18100] =	vst v63  }
0x43: {  	_ =	swait.ge [sflag:s19], $0x4000  }
0x44: {  	s24 =	simm.s32 $0x20;
	s23 =	simm.s32 $0x10;
	[sflag:s19] =	ssyncset.done $0x0  }
.LBB2_4:
0x45: {  	s25 =	sadd.s32 s23, s17  }
0x46: {  	[sflag:s19] =	ssyncadd.s32 $0xFFFFC000;
	s26 =	smov.u32 s24;
	s28 =	sadd.s32 $0x10, s24  }
0x47: {  	[tilespmem:s3], [sflag:$0x2] =	stream.linear.gather [hbm4b:s25+s3], $0x80, $0x38;
	[tilespmem:$0x18100] =	vst v63  }
0x48: {  	p0 =	sne.s32 s24, $0x4E0;
	_ =	swait.ge [sflag:s19], $0x80  }
0x49: {  	[sflag:s19] =	ssyncset.done $0x0  }
0x4a: {  	s24 =	sadd.s32 s23, s16;
	s23 =	smov.u32 s26;
	[sflag:s19] =	ssyncadd.s32 $0xFFFFFF80  }
0x4b: {  	[tilespmem:s20], [sflag:$0x2] =	stream.linear.gather [hbm4b:s24+s3], $0x80, $0x38;
	[tilespmem:$0x18100] =	vst v63  }
0x4c: {  	_ =	swait.ge [sflag:s19], $0x80  }
0x4d: {  	[sflag:s19] =	ssyncset.done $0x0  }
0x4e: {  	[sflag:s19] =	ssyncadd.s32 $0xFFFFFF80  }
0x4f: {  	[tilespmem:s18], [sflag:$0x1] =	stream.indirect.gather [hbm4b:s4+s20], $0x80, s3, s20, $0xb8;
	[tilespmem:$0x18100] =	vst v63  }
0x50: {  	_ =	swait.ge [sflag:s21], $0x4000  }
.Ltmp1:
0x51: {  	[sflag:s21] =	ssyncset.done $0x0;
	(pc) =	sbr.rel @p0 .LBB2_4-.Ltmp1, $4  }
0x52: {  	[sflag:s21] =	ssyncadd.s32 $0xFFFFC000  }
0x53: {  	[spmem:s2] =	stream.indirect.scatter.add.f32 [tilespmem:s18], [sflag:$0x2], $0x80, s20, s20, $0xb8;
	[tilespmem:$0x18100] =	vst v63  }
0x54: {  	_ =	swait.ge [sflag:s19], $0x4000  }
0x55: {  	s24 =	smov.u32 s28;
	[sflag:s19] =	ssyncset.done $0x0  }
0x56: {  	s24 =	sadd.s32 s23, s17;
	[sflag:s19] =	ssyncadd.s32 $0xFFFFC000  }
0x57: {  	[tilespmem:s3], [sflag:$0x2] =	stream.linear.gather [hbm4b:s24+s3], $0x80, $0x38;
	[tilespmem:$0x18100] =	vst v63  }
0x58: {  	_ =	swait.ge [sflag:s19], $0x80  }
0x59: {  	[sflag:s19] =	ssyncset.done $0x0  }
0x5a: {  	s31 =	sadd.s32 s23, s16;
	[sflag:s19] =	ssyncadd.s32 $0xFFFFFF80  }
0x5b: {  	[tilespmem:s20], [sflag:$0x2] =	stream.linear.gather [hbm4b:s31+s3], $0x80, $0x38;
	[tilespmem:$0x18100] =	vst v63  }
0x5c: {  	_ =	swait.ge [sflag:s19], $0x80  }
0x5d: {  	[sflag:s19] =	ssyncset.done $0x0  }
0x5e: {  	[sflag:s19] =	ssyncadd.s32 $0xFFFFFF80  }
0x5f: {  	[tilespmem:s18], [sflag:$0x1] =	stream.indirect.gather [hbm4b:s4+s20], $0x80, s3, s20, $0xb8;
	[tilespmem:$0x18100] =	vst v63  }
0x60: {  	_ =	swait.ge [sflag:s21], $0x4000  }
0x61: {  	[sflag:s21] =	ssyncset.done $0x0  }
0x62: {  	[sflag:s21] =	ssyncadd.s32 $0xFFFFC000  }
0x63: {  	[spmem:s2] =	stream.indirect.scatter.add.f32 [tilespmem:s18], [sflag:$0x2], $0x80, s20, s20, $0xb8;
	[tilespmem:$0x18100] =	vst v63  }
0x64: {  	_ =	swait.ge [sflag:s19], $0x4000  }
0x65: {  	[sflag:s19] =	ssyncset.done $0x0  }
0x66: {  	[sflag:s19] =	ssyncadd.s32 $0xFFFFC000  }
0x67: {  	[bflag:$0x0] =	sbarrier.arrive $0xFFFF  }
0x68: {  	[tilespmem:s18], [sflag:$0x2] =	stream.linear.gather [spmem:s5], $0x4000, $0x38;
	[tilespmem:$0x18100] =	vst v63  }
0x69: {  	_ =	swait.ge [sflag:s19], $0x4000  }
0x6a: {  	[sflag:s19] =	ssyncset.done $0x0  }
0x6b: {  	[sflag:s19] =	ssyncadd.s32 $0xFFFFC000  }
0x6c: {  	[hbm4b:s10+s3] =	stream.linear.scatter [tilespmem:s18], [sflag:$0x2], $0x4000, $0x38;
	[tilespmem:$0x18100] =	vst v63  }
0x6d: {  	_ =	swait.ge [sflag:s19], $0x4000  }
0x6e: {  	[sflag:s19] =	ssyncset.done $0x0  }
0x6f: {  	[sflag:s19] =	ssyncadd.s32 $0xFFFFC000  }
0x70: {  	[tilespmem:s18], [sflag:$0x2] =	stream.linear.gather [spmem:s6], $0x4000, $0x38;
	[tilespmem:$0x18100] =	vst v63  }
0x71: {  	_ =	swait.ge [sflag:s19], $0x4000  }
0x72: {  	[sflag:s19] =	ssyncset.done $0x0  }
0x73: {  	[sflag:s19] =	ssyncadd.s32 $0xFFFFC000  }
0x74: {  	[hbm4b:s11+s3] =	stream.linear.scatter [tilespmem:s18], [sflag:$0x2], $0x4000, $0x38;
	[tilespmem:$0x18100] =	vst v63  }
0x75: {  	_ =	swait.ge [sflag:s19], $0x4000  }
0x76: {  	[sflag:s19] =	ssyncset.done $0x0  }
0x77: {  	[sflag:s19] =	ssyncadd.s32 $0xFFFFC000  }
0x78: {  	[tilespmem:s18], [sflag:$0x2] =	stream.linear.gather [spmem:s7], $0x4000, $0x38;
	[tilespmem:$0x18100] =	vst v63  }
0x79: {  	_ =	swait.ge [sflag:s19], $0x4000  }
0x7a: {  	[sflag:s19] =	ssyncset.done $0x0  }
0x7b: {  	[sflag:s19] =	ssyncadd.s32 $0xFFFFC000  }
0x7c: {  	[hbm4b:s12+s3] =	stream.linear.scatter [tilespmem:s18], [sflag:$0x2], $0x4000, $0x38;
	[tilespmem:$0x18100] =	vst v63  }
0x7d: {  	_ =	swait.ge [sflag:s19], $0x4000  }
0x7e: {  	[sflag:s19] =	ssyncset.done $0x0  }
0x7f: {  	[sflag:s19] =	ssyncadd.s32 $0xFFFFC000  }
0x80: {  	[tilespmem:s18], [sflag:$0x2] =	stream.linear.gather [spmem:s8], $0x4000, $0x38;
	[tilespmem:$0x18100] =	vst v63  }
0x81: {  	_ =	swait.ge [sflag:s19], $0x4000  }
0x82: {  	[sflag:s19] =	ssyncset.done $0x0  }
0x83: {  	[sflag:s19] =	ssyncadd.s32 $0xFFFFC000  }
0x84: {  	[hbm4b:s13+s3] =	stream.linear.scatter [tilespmem:s18], [sflag:$0x2], $0x4000, $0x38;
	[tilespmem:$0x18100] =	vst v63  }
0x85: {  	_ =	swait.ge [sflag:s19], $0x4000  }
0x86: {  	[sflag:s19] =	ssyncset.done $0x0  }
0x87: {  	[sflag:s19] =	ssyncadd.s32 $0xFFFFC000  }
0x88: {  	[tilespmem:s18], [sflag:$0x2] =	stream.linear.gather [spmem:s9], $0x4000, $0x38;
	[tilespmem:$0x18100] =	vst v63  }
0x89: {  	s22 =	sadd.s32 $0x1, s22;
	_ =	swait.ge [sflag:s19], $0x4000  }
0x8a: {  	p0 =	sne.s32 s22, s15;
	[sflag:s19] =	ssyncset.done $0x0  }
.Ltmp2:
0x8b: {  	[sflag:s19] =	ssyncadd.s32 $0xFFFFC000;
	(pc) =	sbr.rel @p0 .LBB2_1-.Ltmp2, $4  }
0x8c: {  	[hbm4b:s14+s3] =	stream.linear.scatter [tilespmem:s18], [sflag:$0x2], $0x4000, $0x38;
	[tilespmem:$0x18100] =	vst v63  }
0x8d: {  	_ =	swait.ge [sflag:s19], $0x4000  }
0x8e: {  	[sflag:s19] =	ssyncset.done $0x0  }
0x8f: {  	[sflag:s19] =	ssyncadd.s32 $0xFFFFC000  }
0x90: {  	_ =	sfence.sel $0x180000  }
0x91: {  	[bflag:$0x0] =	sbarrier.arrive $0xFFFF  }
0x92: {  	p0 =	sne.s32 s1, $0x0;
	_ =	strace $0x9000004A  }
0x93: {  	s0 =	sadd.s32 @!p0 $0x100000, s0;
	[bflag:$0x2] =	sbarrier.arrive $0xFFFF  }
0x94: {  	[sflag:s0] =	ssyncadd.tile.s32 @!p0 $0x1;
	_ =	shalt  }
.Lfunc_end2:
_tile_overlayer_lowered:
.L_overlay_start_2:
0x95: {  	(tag) =	ssettag $0x2  }
0x96: {  	s0 =	rddreg [dreg:$0x0];
	s2 =	stileid.u32  }
0x97: {  	s1 =	rddreg [dreg:$0x1];
	p0 =	sne.s32 s2, $0x0  }
0x98: {  	s3 =	rddreg [dreg:$0x2];
	[bflag:$0x3] =	sbarrier.arrive $0xFFFF;
	s2 =	simm.s32 @!p0 $0x1C02  }
0x99: {  	[timem:s3], [sflag:s2] =	dma.local @!p0 [hbm:s0], s1  }
0x9a: {  	s0 =	simm.s32 @!p0 $0x2  }
0x9b: {  	_ =	swait.ge @!p0 [sflag:s0], s1  }
0x9c: {  	s1 =	ssub.s32 @!p0 $0x0, s1;
	[sflag:s0] =	ssyncset.done @!p0 $0x0  }
0x9d: {  	[sflag:s0] =	ssyncadd.s32 @!p0 s1  }
0x9e: {  	[bflag:$0x3] =	sbarrier.arrive $0xFFFF  }
0x9f: {  	_ =	shalt  }

// kernel: kernel.14.cloned.1.call-start
scs
__scs_entry_jumppad:
0x0: {  	(pc) =	sbr.rel $0x88, $3  }
0x1: {  	(tag) =	ssettag $0x0;
	lr =	simm.s32 $0x1  }
0x2: {  	[smem:$0x3F99] =	sst lr;
	_ =	strace $0xD0000000  }
0x3: {  	_ = 	snop  }
0x4: {  	_ = 	snop  }
0x5: {  	_ = 	snop  }
0x6: {  	_ = 	snop  }
0x7: {  	_ = 	snop  }
__scs_overlays_trampoline_lowered:
0x8: {  	[smem:$0x3FA8] =	sst s0  }
0x9: {  	[smem:$0x3FA9] =	sst s1  }
0xa: {  	[smem:$0x3FAA] =	sst s2  }
0xb: {  	[smem:$0x3FAB] =	sst s3  }
0xc: {  	[smem:$0x3FAC] =	sst s4  }
0xd: {  	[smem:$0x3FAD] =	sst s5  }
0xe: {  	[smem:$0x3FAE] =	sst s6  }
0xf: {  	[smem:$0x3FAF] =	sst s7  }
0x10: {  	[smem:$0x3FB0] =	sst s8  }
0x11: {  	[smem:$0x3FB1] =	sst s9;
	s0 =	simm.s32 @!p0 $0x0  }
0x12: {  	s1 =	sld [smem:$0x3F97];
	s0 =	simm.s32 @p0 $0x1  }
0x13: {  	[smem:$0x3FB2] =	sst s0;
	s0 =	simm.s32 @!p1 $0x0  }
0x14: {  	s2 =	sld [smem:$0x3F96];
	s0 =	simm.s32 @p1 $0x1  }
0x15: {  	[smem:$0x3FB3] =	sst s0;
	s0 =	simm.s32 @!p2 $0x0  }
0x16: {  	s3 =	sld [smem:$0x3FDB];
	s0 =	simm.s32 @p2 $0x1  }
0x17: {  	s4 =	simm.s32 $0x1BF5;
	[smem:$0x3FB5] =	sst s0  }
0x18: {  	s0 =	sld [smem:$0x3F98];
	_ =	swait.ge [sflag:s4], $0x0  }
0x19: {  	s7 =	sld [smem:$0x3F99]  }
0x1a: {  	s8 =	sadd.s32 $0xFFFFE003, lr  }
0x1b: {  	s9 =	sadd.s32 $0xFFFFFEF7, lr;
	s5 =	simm.s32 $0xFFFFFFFF;
	p2 =	slt.u32 s8, $0xFFFFF086  }
0x1c: {  	p1 =	slt.u32 s9, $0xF7A;
	s5 =	simm.s32 @!p2 $0x0  }
0x1d: {  	s5 =	simm.s32 @p1 $0x1;
	p0 =	seq.s32 s7, s2  }
0x1e: {  	s7 =	smul.u32 @!p0 $0xF7A, s2;
	p2 =	seq.s32 @!p0 s5, $0x0  }
0x1f: {  	s9 =	smul.u32 $0xF7A, s1;
	s8 =	simm.s32 @!p0 $0x1BF5;
	p2 =	por !p2, p0  }
0x20: {  	[sflag:s8] =	ssyncset.s32 @!p0 $0xFFFFF086;
	s6 =	sadd.s32 @!p0 s3, s7;
	s7 =	simm.s32 @!p0 $0x108  }
0x21: {  	s3 =	sadd.s32 s3, s9;
	s6 =	sadd.s32 @!p0 $0x88, s6;
	s7 =	simm.s32 @p2 $0x1082  }
0x22: {  	[simem:s7], [sflag:s8] =	dma.local @!p0 [hbm:s6], $0xF7A  }
0x23: {  	s9 =	sor.u32 $0xD0000000, s2;
	s6 =	simm.s32 $0x108;
	_ =	swait.ge @!p0 [sflag:s8], $0x0  }
0x24: {  	s3 =	sadd.s32 $0x88, s3;
	s6 =	simm.s32 @!p1 $0x1082;
	[sflag:s4] =	ssyncset.s32 $0xFFFFF086  }
0x25: {  	[simem:s6], [sflag:s4] =	dma.local [hbm:s3], $0xF7A  }
0x26: {  	[smem:$0x3F99] =	sst s1;
	(tag) =	ssettag s2;
	_ =	strace s9  }
0x27: {  	s1 =	sld [smem:$0x3FA9]  }
0x28: {  	s2 =	sld [smem:$0x3FAA]  }
0x29: {  	s4 =	sld [smem:$0x3FAC]  }
0x2a: {  	p0 =	seq.s32 s5, $0x0;
	s5 =	sld [smem:$0x3FAD]  }
0x2b: {  	s6 =	sld [smem:$0x3FAE]  }
0x2c: {  	s7 =	sld [smem:$0x3FAF]  }
0x2d: {  	s3 =	simm.s32 $0x108;
	s8 =	sld [smem:$0x3FB0]  }
0x2e: {  	s3 =	simm.s32 @!p0 $0x1082;
	s9 =	sld [smem:$0x3FB1]  }
0x2f: {  	lr =	sadd.s32 s0, s3;
	s0 =	sld [smem:$0x3FA8]  }
0x30: {  	s3 =	sld [smem:$0x3FAB]  }
0x31: {  	[smem:$0x3FB4] =	sst s10  }
0x32: {  	s10 =	sld [smem:$0x3FB2];
	_ =	sdelay $0x3  }
0x33: {  	p0 =	seq.s32 s10, $0x1;
	s10 =	sld [smem:$0x3FB4];
	_ =	sdelay $0x3  }
0x34: {  	[smem:$0x3FB4] =	sst s10  }
0x35: {  	s10 =	sld [smem:$0x3FB3];
	_ =	sdelay $0x3  }
0x36: {  	p1 =	seq.s32 s10, $0x1;
	s10 =	sld [smem:$0x3FB4];
	_ =	sdelay $0x3  }
0x37: {  	[smem:$0x3FB4] =	sst s10  }
0x38: {  	s10 =	sld [smem:$0x3FB5]  }
0x39: {  	_ = 	snop;
	(pc) =	sbr.ind lr, $3  }
0x3a: {  	_ = 	snop  }
0x3b: {  	_ = 	snop  }
0x3c: {  	p2 =	seq.s32 s10, $0x1;
	s10 =	sld [smem:$0x3FB4]  }
0x3d: {  	_ =	shalt  }
0x3e: {  	_ =	shalt  }
0x3f: {  	_ =	shalt  }
0x40: {  	_ =	shalt  }
0x41: {  	_ =	shalt  }
0x42: {  	_ =	shalt  }
0x43: {  	_ =	shalt  }
0x44: {  	_ =	shalt  }
0x45: {  	_ =	shalt  }
0x46: {  	_ =	shalt  }
0x47: {  	_ =	shalt  }
0x48: {  	_ =	shalt  }
0x49: {  	_ =	shalt  }
0x4a: {  	_ =	shalt  }
0x4b: {  	_ =	shalt  }
0x4c: {  	_ =	shalt  }
0x4d: {  	_ =	shalt  }
0x4e: {  	_ =	shalt  }
0x4f: {  	_ =	shalt  }
0x50: {  	_ =	shalt  }
0x51: {  	_ =	shalt  }
0x52: {  	_ =	shalt  }
0x53: {  	_ =	shalt  }
0x54: {  	_ =	shalt  }
0x55: {  	_ =	shalt  }
0x56: {  	_ =	shalt  }
0x57: {  	_ =	shalt  }
0x58: {  	_ =	shalt  }
0x59: {  	_ =	shalt  }
0x5a: {  	_ =	shalt  }
0x5b: {  	_ =	shalt  }
0x5c: {  	_ =	shalt  }
0x5d: {  	_ =	shalt  }
0x5e: {  	_ =	shalt  }
0x5f: {  	_ =	shalt  }
0x60: {  	_ =	shalt  }
0x61: {  	_ =	shalt  }
0x62: {  	_ =	shalt  }
0x63: {  	_ =	shalt  }
0x64: {  	_ =	shalt  }
0x65: {  	_ =	shalt  }
0x66: {  	_ =	shalt  }
0x67: {  	_ =	shalt  }
0x68: {  	_ =	shalt  }
0x69: {  	_ =	shalt  }
0x6a: {  	_ =	shalt  }
0x6b: {  	_ =	shalt  }
0x6c: {  	_ =	shalt  }
0x6d: {  	_ =	shalt  }
0x6e: {  	_ =	shalt  }
0x6f: {  	_ =	shalt  }
0x70: {  	_ =	shalt  }
0x71: {  	_ =	shalt  }
0x72: {  	_ =	shalt  }
0x73: {  	_ =	shalt  }
0x74: {  	_ =	shalt  }
0x75: {  	_ =	shalt  }
0x76: {  	_ =	shalt  }
0x77: {  	_ =	shalt  }
0x78: {  	_ =	shalt  }
0x79: {  	_ =	shalt  }
0x7a: {  	_ =	shalt  }
0x7b: {  	_ =	shalt  }
0x7c: {  	_ =	shalt  }
0x7d: {  	_ =	shalt  }
0x7e: {  	_ =	shalt  }
0x7f: {  	_ =	shalt  }
0x80: {  	_ =	shalt  }
0x81: {  	_ =	shalt  }
0x82: {  	_ =	shalt  }
0x83: {  	_ =	shalt  }
0x84: {  	_ =	shalt  }
0x85: {  	_ =	shalt  }
0x86: {  	_ =	shalt  }
0x87: {  	_ =	shalt  }
.Lfunc_end0:
.L_simem_size_0:
called_computation.2_lowered:
.L_overlay_start_0:
0x88: {  	s2 =	sld [smem:$0x3FD9]  }
0x89: {  	s3 =	sld [smem:$0x3FFE];
	_ =	sdelay $0x1  }
0x8a: {  	s1 =	srdreg.scid  }
0x8b: {  	s0 =	sand.u32 $0x1, s1  }
0x8c: {  	s16 =	sshll.u32 s0, $0xA;
	s2 =	sadd.s32 s3, s2  }
0x8d: {  	s2 =	sadd.s32 s2, s16  }
0x8e: {  	[smem:$0x3FC0] =	sst s2  }
0x8f: {  	_ = 	snop  }
0x90: {  	(tm) =	ssettm $0x1  }
0x91: {  	s17 =	sld [smem:$0x3FFB];
	_ =	sdelay $0x3  }
0x92: {  	_ =	strace s17  }
0x93: {  	s2 =	sld [smem:$0x3FFC];
	_ =	sdelay $0x3  }
0x94: {  	_ =	strace s2  }
0x95: {  	s2 =	sld [smem:$0x3FFD];
	_ =	sdelay $0x3  }
0x96: {  	_ =	strace s2  }
0x97: {  	_ =	strace $0x8FFFFFFF  }
0x98: {  	s18 =	sld [smem:$0x3FDB];
	_ =	sdelay $0x1  }
0x99: {  	s19 =	simm.s32 $_scs_section_size  }
0x9a: {  	s4 =	simm.s32 $_size__tile_overlayer_lowered;
	s5 =	simm.s32 $_tile_overlayer_lowered  }
0x9b: {  	s22 =	simm.s32 $0x1BFF;
	s21 =	sshll.u32 s5, $0x1;
	s2 =	sadd.s32 s19, s18  }
0x9c: {  	s6 =	simm.s32 $0x0;
	s20 =	sshll.u32 s4, $0x1;
	s4 =	sadd.s32 s21, s2  }
0x9d: {  	[timem:s6], [sflag:s22] =	dma.local [hbm:s4], s20  }
0x9e: {  	_ =	swait.ge [sflag:s22], s20  }
0x9f: {  	s3 =	ssub.s32 $0x0, s20;
	[sflag:s22] =	ssyncset.done $0x0  }
0xa0: {  	[sflag:s22] =	ssyncadd.s32 s3;
	_ =	sdelay $0x1  }
0xa1: {  	s23 =	simm.s32 $0x1B8B  }
0xa2: {  	_ =	swait.ge [sflag:s23], $0x1  }
0xa3: {  	[sflag:s23] =	ssyncset.done $0x0  }
0xa4: {  	s25 =	simm.s32 $0x1B8E;
	s24 =	sld [smem:$0x3FFE];
	[sflag:s23] =	ssyncadd.s32 $0xFFFFFFFF  }
0xa5: {  	s26 =	simm.s32 $execute0_lowered;
	[smem:$0x3FD2] =	sst s25  }
0xa6: {  	s4 =	sshll.u32 s26, $0x1;
	_ =	strace $0x8000004C;
	[dreg:$0x1] =	wrdreg $0xFFFFFFFF  }
0xa7: {  	s28 =	simm.s32 $_size_execute0_lowered;
	s2 =	sadd.s32 s2, s4;
	[dreg:$0x0] =	wrdreg $0x0  }
0xa8: {  	s4 =	sshll.u32 s28, $0x1;
	[dreg:$0x2] =	wrdreg s2  }
0xa9: {  	[dreg:$0x3] =	wrdreg s4  }
0xaa: {  	[dreg:$0x4] =	wrdreg $0xC0  }
0xab: {  	_ =	task [dreg:s6], $0x5FFFF  }
0xac: {  	[dreg:$0x1] =	wrdreg $0xFFFFFFFF  }
0xad: {  	[dreg:$0x0] =	wrdreg $0x60  }
0xae: {  	[dreg:$0x2] =	wrdreg s24  }
0xaf: {  	[dreg:$0x3] =	wrdreg $0x41000  }
0xb0: {  	[dreg:$0x4] =	wrdreg $0x9  }
0xb1: {  	_ =	task.clear_ibuf [dreg:s6], $0x5FFFF;
	_ =	strace $0x9000004C  }
0xb2: {  	s29 =	simm.s32 $0x9;
	_ =	strace $0x8000004E  }
0xb3: {  	_ =	swait.ge [sflag:s29], $0x1  }
0xb4: {  	[sflag:s29] =	ssyncadd.s32 $0xFFFFFFFF  }
0xb5: {  	_ =	strace $0x9000004E  }
0xb6: {  	_ =	sfence  }
0xb7: {  	s30 =	sld [smem:$0x0];
	_ =	sdelay $0x2  }
0xb8: {  	s31 =	sshll.u32 s1, $0xD;
	s1 =	sshrl.u32 s1, $0x2  }
0xb9: {  	s3 =	sand.u32 $0x4000, s31;
	s1 =	sadd.s32 s1, s30  }
0xba: {  	s0 =	sor.u32 s3, s0;
	s1 =	sshll.u32 s1, $0x11  }
0xbb: {  	s0 =	sor.u32 s1, s0  }
0xbc: {  	s0 =	sadd.s32 $0x8F2B, s0  }
0xbd: {  	[sflag:s0] =	ssyncadd.remote.s32 $0x1  }
0xbe: {  	_ =	sfence.sel $0xFFFF  }
0xbf: {  	[dreg:$0x0] =	wrdreg $0xFFFFFFFF;
	(pc) =	sbr.abs _section_cstart, $3  }
0xc0: {  	[dreg:$0x1] =	wrdreg $0xFFFFFFFF  }
0xc1: {  	_ =	task.clear_ibuf [dreg:s6], $0x2FFFF;
	_ =	strace $0x9FFFFFFF  }
0xc2: {  	(tm) =	ssettm $0x7FFFFFFF  }
0xc3: {  	_ =	shalt  }
tec
execute0_lowered:
.L_overlay_start_1:
0x0: {  	(tag) =	ssettag $0x1  }
0x1: {  	s5 =	rddreg [dreg:$0x0]  }
0x2: {  	s2 =	rddreg [dreg:$0x1]  }
0x3: {  	s0 =	rddreg [dreg:$0x2];
	s1 =	stileid.u32  }
0x4: {  	s3 =	simm.s32 $0x0;
	s7 =	srdreg.scid;
	s6 =	smul.u32 $0x9E0, s1  }
0x5: {  	[smem:$0x7FF] =	sst s3;
	s9 =	smul.u32 $0x280, s1;
	s4 =	sadd.s32 $0x16400, s5  }
0x6: {  	s12 =	sand.u32 $0x1, s7;
	s20 =	smul.u32 $0x50000, s1;
	s15 =	sadd.s32 $0x3E400, s5  }
0x7: {  	_ =	strace $0x8000004D;
	s21 =	ssub.s32 $0x2, s12;
	s18 =	smul.u32 $0x2800, s12  }
0x8: {  	s28 =	smul.u32 $0x4F0, s12;
	s14 =	sadd.s32 s6, s5;
	s22 =	sshrl.u32 s21, $0x1  }
0x9: {  	s7 =	sshrl.u32 s20, $0x2;
	s10 =	sadd.s32 $0x80, s9;
	s13 =	sadd.s32 $0x100, s9  }
0xa: {  	s17 =	sadd.s32 $0x180, s9;
	s19 =	sadd.s32 $0x200, s9;
	s16 =	ssub.s32 s21, s22  }
0xb: {  	s5 =	sadd.s32 s7, s2;
	s23 =	sshll.u32 s10, $0x7;
	s24 =	sshll.u32 s13, $0x7  }
0xc: {  	s8 =	sshll.u32 s17, $0x7;
	s11 =	sshll.u32 s19, $0x7;
	s20 =	sadd.s32 s9, s18  }
0xd: {  	s10 =	sadd.s32 s18, s10;
	s13 =	sadd.s32 s18, s13;
	s17 =	sadd.s32 s18, s17  }
0xe: {  	s30 =	sadd.s32 s18, s19;
	s31 =	sadd.s32 s28, s14;
	s18 =	simm.s32 $0x100  }
0xf: {  	s19 =	simm.s32 $0x2;
	s21 =	simm.s32 $0x1;
	s22 =	simm.s32 $0x0  }
0x10: {  	s6 =	sadd.s32 s23, s2;
	s7 =	sadd.s32 s24, s2;
	s8 =	sadd.s32 s8, s2  }
0x11: {  	s9 =	sadd.s32 s11, s2;
	s25 =	sshll.u32 s20, $0x4;
	s26 =	sshll.u32 s10, $0x4  }
0x12: {  	s13 =	sshll.u32 s13, $0x4;
	s29 =	sshll.u32 s17, $0x4;
	s17 =	sshll.u32 s30, $0x4  }
0x13: {  	s20 =	simm.s32 $0x80;
	s10 =	sadd.s32 s15, s25;
	s11 =	sadd.s32 s15, s26  }
0x14: {  	s12 =	sadd.s32 s15, s13;
	s13 =	sadd.s32 s15, s29;
	s14 =	sadd.s32 s15, s17  }
0x15: {  	v0 =	vimm.f32 $0.0e+00;
	s15 =	smax.u32 s16, $0x1;
	s16 =	sadd.s32 $0x2800, s31;
	s17 =	sadd.s32 $0xC600, s31  }
.LBB2_1:
0x16: {  	s23 =	sand.u32 $0xFE00, s3  }
0x17: {  	s24 =	sand.u32 $0x70, s3;
	s25 =	sshrl.u32 s23, $0x2  }
0x18: {  	s23 =	simm.s32 $0x40;
	s25 =	sor.u32 s24, s25;
	s24 =	simm.s32 $0x0  }
.LBB2_2:
0x19: {  	p0 =	sne.s32 s23, $0xFFC0  }
0x1a: {  	[tilespmem:s25+$0x100] =	vst v0;
	s24 =	sadd.s32 $0x10, s24;
	s25 =	smov.u32 s23;
	s23 =	sadd.s32 $0x40, s23  }
.Ltmp0:
0x1b: {  	(pc) =	sbr.rel @p0 .LBB2_2-.Ltmp0, $4  }
0x1c: {  	_ = 	snop  }
0x1d: {  	s25 =	sand.u32 $0xFE00, s25  }
0x1e: {  	s26 =	sand.u32 $0x70, s24;
	s25 =	sshrl.u32 s25, $0x2  }
0x1f: {  	s25 =	sor.u32 s26, s25  }
0x20: {  	[tilespmem:s25+$0x100] =	vst v0  }
0x21: {  	[spmem:s5] =	stream.linear.scatter [tilespmem:s18], [sflag:$0x2], $0x4000, $0x38;
	[tilespmem:$0x18100] =	vst v63  }
0x22: {  	_ =	swait.ge [sflag:s19], $0x4000  }
0x23: {  	[sflag:s19] =	ssyncset.done $0x0  }
0x24: {  	[sflag:s19] =	ssyncadd.s32 $0xFFFFC000  }
0x25: {  	[spmem:s6] =	stream.linear.scatter [tilespmem:s18], [sflag:$0x2], $0x4000, $0x38;
	[tilespmem:$0x18100] =	vst v63  }
0x26: {  	_ =	swait.ge [sflag:s19], $0x4000  }
0x27: {  	[sflag:s19] =	ssyncset.done $0x0  }
0x28: {  	[sflag:s19] =	ssyncadd.s32 $0xFFFFC000  }
0x29: {  	[spmem:s7] =	stream.linear.scatter [tilespmem:s18], [sflag:$0x2], $0x4000, $0x38;
	[tilespmem:$0x18100] =	vst v63  }
0x2a: {  	_ =	swait.ge [sflag:s19], $0x4000  }
0x2b: {  	[sflag:s19] =	ssyncset.done $0x0  }
0x2c: {  	[sflag:s19] =	ssyncadd.s32 $0xFFFFC000  }
0x2d: {  	[spmem:s8] =	stream.linear.scatter [tilespmem:s18], [sflag:$0x2], $0x4000, $0x38;
	[tilespmem:$0x18100] =	vst v63  }
0x2e: {  	_ =	swait.ge [sflag:s19], $0x4000  }
0x2f: {  	[sflag:s19] =	ssyncset.done $0x0  }
0x30: {  	[sflag:s19] =	ssyncadd.s32 $0xFFFFC000  }
0x31: {  	[spmem:s9] =	stream.linear.scatter [tilespmem:s18], [sflag:$0x2], $0x4000, $0x38;
	[tilespmem:$0x18100] =	vst v63  }
0x32: {  	_ =	swait.ge [sflag:s19], $0x4000  }
0x33: {  	[sflag:s19] =	ssyncset.done $0x0  }
0x34: {  	[sflag:s19] =	ssyncadd.s32 $0xFFFFC000  }
0x35: {  	s23 =	sadd.s32 $0x0, s17;
	[bflag:$0x0] =	sbarrier.arrive $0xFFFF  }
0x36: {  	[tilespmem:s3], [sflag:$0x2] =	stream.linear.gather [hbm4b:s23+s3], $0x80, $0x38;
	[tilespmem:$0x18100] =	vst v63  }
0x37: {  	_ =	swait.ge [sflag:s19], $0x80  }
0x38: {  	[sflag:s19] =	ssyncset.done $0x0  }
0x39: {  	s31 =	sadd.s32 $0x0, s16;
	[sflag:s19] =	ssyncadd.s32 $0xFFFFFF80  }
0x3a: {  	[tilespmem:s20], [sflag:$0x2] =	stream.linear.gather [hbm4b:s31+s3], $0x80, $0x38;
	[tilespmem:$0x18100] =	vst v63  }
0x3b: {  	_ =	swait.ge [sflag:s19], $0x80  }
0x3c: {  	[sflag:s19] =	ssyncset.done $0x0  }
0x3d: {  	[sflag:s19] =	ssyncadd.s32 $0xFFFFFF80  }
0x3e: {  	[tilespmem:s18], [sflag:$0x1] =	stream.indirect.gather [hbm4b:s4+s20], $0x80, s3, s20, $0xb8;
	[tilespmem:$0x18100] =	vst v63  }
0x3f: {  	_ =	swait.ge [sflag:s21], $0x4000  }
0x40: {  	[sflag:s21] =	ssyncset.done $0x0  }
0x41: {  	[sflag:s21] =	ssyncadd.s32 $0xFFFFC000  }
0x42: {  	[spmem:s2] =	stream.indirect.scatter.add.f32 [tilespmem:s18], [sflag:$0x2], $0x80, s20, s20, $0xb8;
	[tilespmem:$0x18100] =	vst v63  }
0x43: {  	_ =	swait.ge [sflag:s19], $0x4000  }
0x44: {  	s24 =	simm.s32 $0x20;
	s23 =	simm.s32 $0x10;
	[sflag:s19] =	ssyncset.done $0x0  }
.LBB2_4:
0x45: {  	s25 =	sadd.s32 s23, s17  }
0x46: {  	[sflag:s19] =	ssyncadd.s32 $0xFFFFC000;
	s26 =	smov.u32 s24;
	s28 =	sadd.s32 $0x10, s24  }
0x47: {  	[tilespmem:s3], [sflag:$0x2] =	stream.linear.gather [hbm4b:s25+s3], $0x80, $0x38;
	[tilespmem:$0x18100] =	vst v63  }
0x48: {  	p0 =	sne.s32 s24, $0x4E0;
	_ =	swait.ge [sflag:s19], $0x80  }
0x49: {  	[sflag:s19] =	ssyncset.done $0x0  }
0x4a: {  	s24 =	sadd.s32 s23, s16;
	s23 =	smov.u32 s26;
	[sflag:s19] =	ssyncadd.s32 $0xFFFFFF80  }
0x4b: {  	[tilespmem:s20], [sflag:$0x2] =	stream.linear.gather [hbm4b:s24+s3], $0x80, $0x38;
	[tilespmem:$0x18100] =	vst v63  }
0x4c: {  	_ =	swait.ge [sflag:s19], $0x80  }
0x4d: {  	[sflag:s19] =	ssyncset.done $0x0  }
0x4e: {  	[sflag:s19] =	ssyncadd.s32 $0xFFFFFF80  }
0x4f: {  	[tilespmem:s18], [sflag:$0x1] =	stream.indirect.gather [hbm4b:s4+s20], $0x80, s3, s20, $0xb8;
	[tilespmem:$0x18100] =	vst v63  }
0x50: {  	_ =	swait.ge [sflag:s21], $0x4000  }
.Ltmp1:
0x51: {  	[sflag:s21] =	ssyncset.done $0x0;
	(pc) =	sbr.rel @p0 .LBB2_4-.Ltmp1, $4  }
0x52: {  	[sflag:s21] =	ssyncadd.s32 $0xFFFFC000  }
0x53: {  	[spmem:s2] =	stream.indirect.scatter.add.f32 [tilespmem:s18], [sflag:$0x2], $0x80, s20, s20, $0xb8;
	[tilespmem:$0x18100] =	vst v63  }
0x54: {  	_ =	swait.ge [sflag:s19], $0x4000  }
0x55: {  	s24 =	smov.u32 s28;
	[sflag:s19] =	ssyncset.done $0x0  }
0x56: {  	s24 =	sadd.s32 s23, s17;
	[sflag:s19] =	ssyncadd.s32 $0xFFFFC000  }
0x57: {  	[tilespmem:s3], [sflag:$0x2] =	stream.linear.gather [hbm4b:s24+s3], $0x80, $0x38;
	[tilespmem:$0x18100] =	vst v63  }
0x58: {  	_ =	swait.ge [sflag:s19], $0x80  }
0x59: {  	[sflag:s19] =	ssyncset.done $0x0  }
0x5a: {  	s31 =	sadd.s32 s23, s16;
	[sflag:s19] =	ssyncadd.s32 $0xFFFFFF80  }
0x5b: {  	[tilespmem:s20], [sflag:$0x2] =	stream.linear.gather [hbm4b:s31+s3], $0x80, $0x38;
	[tilespmem:$0x18100] =	vst v63  }
0x5c: {  	_ =	swait.ge [sflag:s19], $0x80  }
0x5d: {  	[sflag:s19] =	ssyncset.done $0x0  }
0x5e: {  	[sflag:s19] =	ssyncadd.s32 $0xFFFFFF80  }
0x5f: {  	[tilespmem:s18], [sflag:$0x1] =	stream.indirect.gather [hbm4b:s4+s20], $0x80, s3, s20, $0xb8;
	[tilespmem:$0x18100] =	vst v63  }
0x60: {  	_ =	swait.ge [sflag:s21], $0x4000  }
0x61: {  	[sflag:s21] =	ssyncset.done $0x0  }
0x62: {  	[sflag:s21] =	ssyncadd.s32 $0xFFFFC000  }
0x63: {  	[spmem:s2] =	stream.indirect.scatter.add.f32 [tilespmem:s18], [sflag:$0x2], $0x80, s20, s20, $0xb8;
	[tilespmem:$0x18100] =	vst v63  }
0x64: {  	_ =	swait.ge [sflag:s19], $0x4000  }
0x65: {  	[sflag:s19] =	ssyncset.done $0x0  }
0x66: {  	[sflag:s19] =	ssyncadd.s32 $0xFFFFC000  }
0x67: {  	[bflag:$0x0] =	sbarrier.arrive $0xFFFF  }
0x68: {  	[tilespmem:s18], [sflag:$0x2] =	stream.linear.gather [spmem:s5], $0x4000, $0x38;
	[tilespmem:$0x18100] =	vst v63  }
0x69: {  	_ =	swait.ge [sflag:s19], $0x4000  }
0x6a: {  	[sflag:s19] =	ssyncset.done $0x0  }
0x6b: {  	[sflag:s19] =	ssyncadd.s32 $0xFFFFC000  }
0x6c: {  	[hbm4b:s10+s3] =	stream.linear.scatter [tilespmem:s18], [sflag:$0x2], $0x4000, $0x38;
	[tilespmem:$0x18100] =	vst v63  }
0x6d: {  	_ =	swait.ge [sflag:s19], $0x4000  }
0x6e: {  	[sflag:s19] =	ssyncset.done $0x0  }
0x6f: {  	[sflag:s19] =	ssyncadd.s32 $0xFFFFC000  }
0x70: {  	[tilespmem:s18], [sflag:$0x2] =	stream.linear.gather [spmem:s6], $0x4000, $0x38;
	[tilespmem:$0x18100] =	vst v63  }
0x71: {  	_ =	swait.ge [sflag:s19], $0x4000  }
0x72: {  	[sflag:s19] =	ssyncset.done $0x0  }
0x73: {  	[sflag:s19] =	ssyncadd.s32 $0xFFFFC000  }
0x74: {  	[hbm4b:s11+s3] =	stream.linear.scatter [tilespmem:s18], [sflag:$0x2], $0x4000, $0x38;
	[tilespmem:$0x18100] =	vst v63  }
0x75: {  	_ =	swait.ge [sflag:s19], $0x4000  }
0x76: {  	[sflag:s19] =	ssyncset.done $0x0  }
0x77: {  	[sflag:s19] =	ssyncadd.s32 $0xFFFFC000  }
0x78: {  	[tilespmem:s18], [sflag:$0x2] =	stream.linear.gather [spmem:s7], $0x4000, $0x38;
	[tilespmem:$0x18100] =	vst v63  }
0x79: {  	_ =	swait.ge [sflag:s19], $0x4000  }
0x7a: {  	[sflag:s19] =	ssyncset.done $0x0  }
0x7b: {  	[sflag:s19] =	ssyncadd.s32 $0xFFFFC000  }
0x7c: {  	[hbm4b:s12+s3] =	stream.linear.scatter [tilespmem:s18], [sflag:$0x2], $0x4000, $0x38;
	[tilespmem:$0x18100] =	vst v63  }
0x7d: {  	_ =	swait.ge [sflag:s19], $0x4000  }
0x7e: {  	[sflag:s19] =	ssyncset.done $0x0  }
0x7f: {  	[sflag:s19] =	ssyncadd.s32 $0xFFFFC000  }
0x80: {  	[tilespmem:s18], [sflag:$0x2] =	stream.linear.gather [spmem:s8], $0x4000, $0x38;
	[tilespmem:$0x18100] =	vst v63  }
0x81: {  	_ =	swait.ge [sflag:s19], $0x4000  }
0x82: {  	[sflag:s19] =	ssyncset.done $0x0  }
0x83: {  	[sflag:s19] =	ssyncadd.s32 $0xFFFFC000  }
0x84: {  	[hbm4b:s13+s3] =	stream.linear.scatter [tilespmem:s18], [sflag:$0x2], $0x4000, $0x38;
	[tilespmem:$0x18100] =	vst v63  }
0x85: {  	_ =	swait.ge [sflag:s19], $0x4000  }
0x86: {  	[sflag:s19] =	ssyncset.done $0x0  }
0x87: {  	[sflag:s19] =	ssyncadd.s32 $0xFFFFC000  }
0x88: {  	[tilespmem:s18], [sflag:$0x2] =	stream.linear.gather [spmem:s9], $0x4000, $0x38;
	[tilespmem:$0x18100] =	vst v63  }
0x89: {  	s22 =	sadd.s32 $0x1, s22;
	_ =	swait.ge [sflag:s19], $0x4000  }
0x8a: {  	p0 =	sne.s32 s22, s15;
	[sflag:s19] =	ssyncset.done $0x0  }
.Ltmp2:
0x8b: {  	[sflag:s19] =	ssyncadd.s32 $0xFFFFC000;
	(pc) =	sbr.rel @p0 .LBB2_1-.Ltmp2, $4  }
0x8c: {  	[hbm4b:s14+s3] =	stream.linear.scatter [tilespmem:s18], [sflag:$0x2], $0x4000, $0x38;
	[tilespmem:$0x18100] =	vst v63  }
0x8d: {  	_ =	swait.ge [sflag:s19], $0x4000  }
0x8e: {  	[sflag:s19] =	ssyncset.done $0x0  }
0x8f: {  	[sflag:s19] =	ssyncadd.s32 $0xFFFFC000  }
0x90: {  	_ =	sfence.sel $0x180000  }
0x91: {  	[bflag:$0x0] =	sbarrier.arrive $0xFFFF  }
0x92: {  	p0 =	sne.s32 s1, $0x0;
	_ =	strace $0x9000004D  }
0x93: {  	s0 =	sadd.s32 @!p0 $0x100000, s0;
	[bflag:$0x2] =	sbarrier.arrive $0xFFFF  }
0x94: {  	[sflag:s0] =	ssyncadd.tile.s32 @!p0 $0x1;
	_ =	shalt  }
.Lfunc_end2:
_tile_overlayer_lowered:
.L_overlay_start_2:
0x95: {  	(tag) =	ssettag $0x2  }
0x96: {  	s0 =	rddreg [dreg:$0x0];
	s2 =	stileid.u32  }
0x97: {  	s1 =	rddreg [dreg:$0x1];
	p0 =	sne.s32 s2, $0x0  }
0x98: {  	s3 =	rddreg [dreg:$0x2];
	[bflag:$0x3] =	sbarrier.arrive $0xFFFF;
	s2 =	simm.s32 @!p0 $0x1C02  }
0x99: {  	[timem:s3], [sflag:s2] =	dma.local @!p0 [hbm:s0], s1  }
0x9a: {  	s0 =	simm.s32 @!p0 $0x2  }
0x9b: {  	_ =	swait.ge @!p0 [sflag:s0], s1  }
0x9c: {  	s1 =	ssub.s32 @!p0 $0x0, s1;
	[sflag:s0] =	ssyncset.done @!p0 $0x0  }
0x9d: {  	[sflag:s0] =	ssyncadd.s32 @!p0 s1  }
0x9e: {  	[bflag:$0x3] =	sbarrier.arrive $0xFFFF  }
0x9f: {  	_ =	shalt  }

// kernel: kernel.8.cloned.1.call-start
scs
__scs_entry_jumppad:
0x0: {  	(pc) =	sbr.rel $0x88, $3  }
0x1: {  	(tag) =	ssettag $0x0;
	lr =	simm.s32 $0x1  }
0x2: {  	[smem:$0x3F99] =	sst lr;
	_ =	strace $0xD0000000  }
0x3: {  	_ = 	snop  }
0x4: {  	_ = 	snop  }
0x5: {  	_ = 	snop  }
0x6: {  	_ = 	snop  }
0x7: {  	_ = 	snop  }
__scs_overlays_trampoline_lowered:
0x8: {  	[smem:$0x3FA8] =	sst s0  }
0x9: {  	[smem:$0x3FA9] =	sst s1  }
0xa: {  	[smem:$0x3FAA] =	sst s2  }
0xb: {  	[smem:$0x3FAB] =	sst s3  }
0xc: {  	[smem:$0x3FAC] =	sst s4  }
0xd: {  	[smem:$0x3FAD] =	sst s5  }
0xe: {  	[smem:$0x3FAE] =	sst s6  }
0xf: {  	[smem:$0x3FAF] =	sst s7  }
0x10: {  	[smem:$0x3FB0] =	sst s8  }
0x11: {  	[smem:$0x3FB1] =	sst s9;
	s0 =	simm.s32 @!p0 $0x0  }
0x12: {  	s1 =	sld [smem:$0x3F97];
	s0 =	simm.s32 @p0 $0x1  }
0x13: {  	[smem:$0x3FB2] =	sst s0;
	s0 =	simm.s32 @!p1 $0x0  }
0x14: {  	s2 =	sld [smem:$0x3F96];
	s0 =	simm.s32 @p1 $0x1  }
0x15: {  	[smem:$0x3FB3] =	sst s0;
	s0 =	simm.s32 @!p2 $0x0  }
0x16: {  	s3 =	sld [smem:$0x3FDB];
	s0 =	simm.s32 @p2 $0x1  }
0x17: {  	s4 =	simm.s32 $0x1BF5;
	[smem:$0x3FB5] =	sst s0  }
0x18: {  	s0 =	sld [smem:$0x3F98];
	_ =	swait.ge [sflag:s4], $0x0  }
0x19: {  	s7 =	sld [smem:$0x3F99]  }
0x1a: {  	s8 =	sadd.s32 $0xFFFFE003, lr  }
0x1b: {  	s9 =	sadd.s32 $0xFFFFFEF7, lr;
	s5 =	simm.s32 $0xFFFFFFFF;
	p2 =	slt.u32 s8, $0xFFFFF086  }
0x1c: {  	p1 =	slt.u32 s9, $0xF7A;
	s5 =	simm.s32 @!p2 $0x0  }
0x1d: {  	s5 =	simm.s32 @p1 $0x1;
	p0 =	seq.s32 s7, s2  }
0x1e: {  	s7 =	smul.u32 @!p0 $0xF7A, s2;
	p2 =	seq.s32 @!p0 s5, $0x0  }
0x1f: {  	s9 =	smul.u32 $0xF7A, s1;
	s8 =	simm.s32 @!p0 $0x1BF5;
	p2 =	por !p2, p0  }
0x20: {  	[sflag:s8] =	ssyncset.s32 @!p0 $0xFFFFF086;
	s6 =	sadd.s32 @!p0 s3, s7;
	s7 =	simm.s32 @!p0 $0x108  }
0x21: {  	s3 =	sadd.s32 s3, s9;
	s6 =	sadd.s32 @!p0 $0x88, s6;
	s7 =	simm.s32 @p2 $0x1082  }
0x22: {  	[simem:s7], [sflag:s8] =	dma.local @!p0 [hbm:s6], $0xF7A  }
0x23: {  	s9 =	sor.u32 $0xD0000000, s2;
	s6 =	simm.s32 $0x108;
	_ =	swait.ge @!p0 [sflag:s8], $0x0  }
0x24: {  	s3 =	sadd.s32 $0x88, s3;
	s6 =	simm.s32 @!p1 $0x1082;
	[sflag:s4] =	ssyncset.s32 $0xFFFFF086  }
0x25: {  	[simem:s6], [sflag:s4] =	dma.local [hbm:s3], $0xF7A  }
0x26: {  	[smem:$0x3F99] =	sst s1;
	(tag) =	ssettag s2;
	_ =	strace s9  }
0x27: {  	s1 =	sld [smem:$0x3FA9]  }
0x28: {  	s2 =	sld [smem:$0x3FAA]  }
0x29: {  	s4 =	sld [smem:$0x3FAC]  }
0x2a: {  	p0 =	seq.s32 s5, $0x0;
	s5 =	sld [smem:$0x3FAD]  }
0x2b: {  	s6 =	sld [smem:$0x3FAE]  }
0x2c: {  	s7 =	sld [smem:$0x3FAF]  }
0x2d: {  	s3 =	simm.s32 $0x108;
	s8 =	sld [smem:$0x3FB0]  }
0x2e: {  	s3 =	simm.s32 @!p0 $0x1082;
	s9 =	sld [smem:$0x3FB1]  }
0x2f: {  	lr =	sadd.s32 s0, s3;
	s0 =	sld [smem:$0x3FA8]  }
0x30: {  	s3 =	sld [smem:$0x3FAB]  }
0x31: {  	[smem:$0x3FB4] =	sst s10  }
0x32: {  	s10 =	sld [smem:$0x3FB2];
	_ =	sdelay $0x3  }
0x33: {  	p0 =	seq.s32 s10, $0x1;
	s10 =	sld [smem:$0x3FB4];
	_ =	sdelay $0x3  }
0x34: {  	[smem:$0x3FB4] =	sst s10  }
0x35: {  	s10 =	sld [smem:$0x3FB3];
	_ =	sdelay $0x3  }
0x36: {  	p1 =	seq.s32 s10, $0x1;
	s10 =	sld [smem:$0x3FB4];
	_ =	sdelay $0x3  }
0x37: {  	[smem:$0x3FB4] =	sst s10  }
0x38: {  	s10 =	sld [smem:$0x3FB5]  }
0x39: {  	_ = 	snop;
	(pc) =	sbr.ind lr, $3  }
0x3a: {  	_ = 	snop  }
0x3b: {  	_ = 	snop  }
0x3c: {  	p2 =	seq.s32 s10, $0x1;
	s10 =	sld [smem:$0x3FB4]  }
0x3d: {  	_ =	shalt  }
0x3e: {  	_ =	shalt  }
0x3f: {  	_ =	shalt  }
0x40: {  	_ =	shalt  }
0x41: {  	_ =	shalt  }
0x42: {  	_ =	shalt  }
0x43: {  	_ =	shalt  }
0x44: {  	_ =	shalt  }
0x45: {  	_ =	shalt  }
0x46: {  	_ =	shalt  }
0x47: {  	_ =	shalt  }
0x48: {  	_ =	shalt  }
0x49: {  	_ =	shalt  }
0x4a: {  	_ =	shalt  }
0x4b: {  	_ =	shalt  }
0x4c: {  	_ =	shalt  }
0x4d: {  	_ =	shalt  }
0x4e: {  	_ =	shalt  }
0x4f: {  	_ =	shalt  }
0x50: {  	_ =	shalt  }
0x51: {  	_ =	shalt  }
0x52: {  	_ =	shalt  }
0x53: {  	_ =	shalt  }
0x54: {  	_ =	shalt  }
0x55: {  	_ =	shalt  }
0x56: {  	_ =	shalt  }
0x57: {  	_ =	shalt  }
0x58: {  	_ =	shalt  }
0x59: {  	_ =	shalt  }
0x5a: {  	_ =	shalt  }
0x5b: {  	_ =	shalt  }
0x5c: {  	_ =	shalt  }
0x5d: {  	_ =	shalt  }
0x5e: {  	_ =	shalt  }
0x5f: {  	_ =	shalt  }
0x60: {  	_ =	shalt  }
0x61: {  	_ =	shalt  }
0x62: {  	_ =	shalt  }
0x63: {  	_ =	shalt  }
0x64: {  	_ =	shalt  }
0x65: {  	_ =	shalt  }
0x66: {  	_ =	shalt  }
0x67: {  	_ =	shalt  }
0x68: {  	_ =	shalt  }
0x69: {  	_ =	shalt  }
0x6a: {  	_ =	shalt  }
0x6b: {  	_ =	shalt  }
0x6c: {  	_ =	shalt  }
0x6d: {  	_ =	shalt  }
0x6e: {  	_ =	shalt  }
0x6f: {  	_ =	shalt  }
0x70: {  	_ =	shalt  }
0x71: {  	_ =	shalt  }
0x72: {  	_ =	shalt  }
0x73: {  	_ =	shalt  }
0x74: {  	_ =	shalt  }
0x75: {  	_ =	shalt  }
0x76: {  	_ =	shalt  }
0x77: {  	_ =	shalt  }
0x78: {  	_ =	shalt  }
0x79: {  	_ =	shalt  }
0x7a: {  	_ =	shalt  }
0x7b: {  	_ =	shalt  }
0x7c: {  	_ =	shalt  }
0x7d: {  	_ =	shalt  }
0x7e: {  	_ =	shalt  }
0x7f: {  	_ =	shalt  }
0x80: {  	_ =	shalt  }
0x81: {  	_ =	shalt  }
0x82: {  	_ =	shalt  }
0x83: {  	_ =	shalt  }
0x84: {  	_ =	shalt  }
0x85: {  	_ =	shalt  }
0x86: {  	_ =	shalt  }
0x87: {  	_ =	shalt  }
.Lfunc_end0:
.L_simem_size_0:
called_computation_lowered:
.L_overlay_start_0:
0x88: {  	s2 =	sld [smem:$0x3FD9]  }
0x89: {  	s3 =	sld [smem:$0x3FFE];
	_ =	sdelay $0x1  }
0x8a: {  	s1 =	srdreg.scid  }
0x8b: {  	s0 =	sand.u32 $0x1, s1  }
0x8c: {  	s17 =	sshll.u32 s0, $0xA;
	s2 =	sadd.s32 s3, s2  }
0x8d: {  	s2 =	sadd.s32 s2, s17  }
0x8e: {  	[smem:$0x3FC0] =	sst s2  }
0x8f: {  	_ = 	snop  }
0x90: {  	s2 =	sld [smem:$0x3FD0];
	(tm) =	ssettm $0x1  }
0x91: {  	s18 =	sld [smem:$0x3FFB];
	_ =	sdelay $0x3  }
0x92: {  	_ =	strace s18  }
0x93: {  	s3 =	sld [smem:$0x3FFC];
	_ =	sdelay $0x3  }
0x94: {  	_ =	strace s3  }
0x95: {  	s3 =	sld [smem:$0x3FFD];
	_ =	sdelay $0x3  }
0x96: {  	_ =	strace s3  }
0x97: {  	_ =	strace $0x8FFFFFFF  }
0x98: {  	s19 =	sld [smem:$0x3FDB];
	_ =	sdelay $0x1  }
0x99: {  	s4 =	simm.s32 $_scs_section_size  }
0x9a: {  	s5 =	simm.s32 $_size__tile_overlayer_lowered;
	s6 =	simm.s32 $_tile_overlayer_lowered  }
0x9b: {  	s22 =	simm.s32 $0x1BFF;
	s21 =	sshll.u32 s6, $0x1;
	s3 =	sadd.s32 s4, s19  }
0x9c: {  	s7 =	simm.s32 $0x0;
	s20 =	sshll.u32 s5, $0x1;
	s5 =	sadd.s32 s21, s3  }
0x9d: {  	[timem:s7], [sflag:s22] =	dma.local [hbm:s5], s20  }
0x9e: {  	_ =	swait.ge [sflag:s22], s20  }
0x9f: {  	s4 =	ssub.s32 $0x0, s20;
	[sflag:s22] =	ssyncset.done $0x0  }
0xa0: {  	[sflag:s22] =	ssyncadd.s32 s4;
	_ =	sdelay $0x1  }
0xa1: {  	s23 =	simm.s32 $0x1B8B  }
0xa2: {  	_ =	swait.ge [sflag:s23], $0x1  }
0xa3: {  	[sflag:s23] =	ssyncset.done $0x0  }
0xa4: {  	s25 =	simm.s32 $0x1B8E;
	s24 =	sld [smem:$0x3FFE];
	[sflag:s23] =	ssyncadd.s32 $0xFFFFFFFF  }
0xa5: {  	s26 =	simm.s32 $execute0_lowered;
	[smem:$0x3FD2] =	sst s25  }
0xa6: {  	s5 =	sshll.u32 s26, $0x1;
	_ =	strace $0x80000046;
	[dreg:$0x1] =	wrdreg $0xFFFFFFFF  }
0xa7: {  	s28 =	simm.s32 $_size_execute0_lowered;
	s3 =	sadd.s32 s3, s5;
	[dreg:$0x0] =	wrdreg $0x0  }
0xa8: {  	s5 =	sshll.u32 s28, $0x1;
	[dreg:$0x2] =	wrdreg s3  }
0xa9: {  	[dreg:$0x3] =	wrdreg s5  }
0xaa: {  	[dreg:$0x4] =	wrdreg $0xC0  }
0xab: {  	_ =	task [dreg:s7], $0x5FFFF  }
0xac: {  	[dreg:$0x1] =	wrdreg $0xFFFFFFFF  }
0xad: {  	[dreg:$0x0] =	wrdreg $0x60  }
0xae: {  	[dreg:$0x2] =	wrdreg s24  }
0xaf: {  	[dreg:$0x3] =	wrdreg s2  }
0xb0: {  	[dreg:$0x4] =	wrdreg $0x9  }
0xb1: {  	_ =	task.clear_ibuf [dreg:s7], $0x5FFFF;
	_ =	strace $0x90000046  }
0xb2: {  	s29 =	simm.s32 $0x9;
	_ =	strace $0x80000048  }
0xb3: {  	_ =	swait.ge [sflag:s29], $0x1  }
0xb4: {  	[sflag:s29] =	ssyncadd.s32 $0xFFFFFFFF  }
0xb5: {  	_ =	strace $0x90000048  }
0xb6: {  	_ =	sfence  }
0xb7: {  	s30 =	sld [smem:$0x0];
	_ =	sdelay $0x2  }
0xb8: {  	s31 =	sshll.u32 s1, $0xD;
	s1 =	sshrl.u32 s1, $0x2  }
0xb9: {  	s3 =	sand.u32 $0x4000, s31;
	s1 =	sadd.s32 s1, s30  }
0xba: {  	s0 =	sor.u32 s3, s0;
	s1 =	sshll.u32 s1, $0x11  }
0xbb: {  	s0 =	sor.u32 s1, s0  }
0xbc: {  	s0 =	sadd.s32 $0x8F2B, s0  }
0xbd: {  	[sflag:s0] =	ssyncadd.remote.s32 $0x1  }
0xbe: {  	_ =	sfence.sel $0xFFFF  }
0xbf: {  	[dreg:$0x0] =	wrdreg $0xFFFFFFFF;
	(pc) =	sbr.abs _section_cstart, $3  }
0xc0: {  	[dreg:$0x1] =	wrdreg $0xFFFFFFFF  }
0xc1: {  	_ =	task.clear_ibuf [dreg:s7], $0x2FFFF;
	_ =	strace $0x9FFFFFFF  }
0xc2: {  	(tm) =	ssettm $0x7FFFFFFF  }
0xc3: {  	_ =	shalt  }
tec
execute0_lowered:
.L_overlay_start_1:
0x0: {  	(tag) =	ssettag $0x1  }
0x1: {  	s3 =	rddreg [dreg:$0x0]  }
0x2: {  	s1 =	srdreg.scid;
	s0 =	stileid.u32  }
0x3: {  	s4 =	rddreg [dreg:$0x1];
	s5 =	sand.u32 $0x1, s1;
	s2 =	sshll.u32 s0, $0x1  }
0x4: {  	s1 =	rddreg [dreg:$0x2];
	s6 =	sor.u32 s5, s2  }
0x5: {  	s2 =	simm.s32 $0x0;
	s5 =	ssub.s32 $0x2, s5;
	s7 =	smul.u32 $0x4F0, s6  }
0x6: {  	[smem:$0x7FF] =	sst s2;
	s8 =	sshrl.u32 s5, $0x1;
	s6 =	smul.u32 $0x500, s6  }
0x7: {  	_ =	strace $0x80000047;
	s5 =	ssub.s32 s5, s8;
	s8 =	simm.s32 $0x0  }
0x8: {  	s3 =	sadd.s32 s7, s3;
	s4 =	sadd.s32 s4, s6;
	s5 =	smax.u32 s5, $0x1  }
0x9: {  	v0 =	vimm.f32 $0.0e+00;
	v1 =	vimm.f32 $1.000000000e+00;
	s6 =	simm.s32 $0x1;
	s7 =	simm.s32 $0x2780;
	s3 =	sadd.s32 $0x2800, s3  }
.LBB2_1:
0xa: {  	s9 =	simm.s32 $0x40;
	s10 =	simm.s32 $0x0  }
.LBB2_2:
0xb: {  	p0 =	sne.s32 s9, $0x9FC0;
	[tilespmem:s10+$0x2780] =	vst v0;
	s10 =	smov.u32 s9;
	s9 =	sadd.s32 $0x40, s9  }
.Ltmp0:
0xc: {  	(pc) =	sbr.rel @p0 .LBB2_2-.Ltmp0, $2  }
0xd: {  	_ =	sdelay $0x2  }
0xe: {  	s10 =	sshra.s32 s10, $0x2  }
0xf: {  	[tilespmem:s10+$0x2780] =	vst v0;
	s9 =	simm.s32 $0x0  }
0x10: {  	[tilespmem:s9], [sflag:$0x1] =	stream.linear.gather [hbm4b:s3+s9], $0x2780, $0x38;
	[tilespmem:$0x4F80] =	vst v63  }
0x11: {  	_ =	swait.ge [sflag:s6], $0x2780  }
0x12: {  	[sflag:s6] =	ssyncset.done $0x0  }
0x13: {  	s10 =	simm.s32 $0x0;
	s9 =	simm.s32 $0x40;
	[sflag:s6] =	ssyncadd.s32 $0xFFFFD880  }
.LBB2_4:
0x14: {  	p0 =	sne.s32 s9, $0x9DC0;
	v2 =	vld [tilespmem:s10+$0x0];
	_ =	sdelay $0x3  }
.Ltmp1:
0x15: {  	(pc) =	sbr.rel @p0 .LBB2_4-.Ltmp1, $2  }
0x16: {  	_ =	sdelay $0x2  }
0x17: {  	s10 =	sshra.s32 s9, $0x2;
	s9 =	sadd.s32 $0x40, s9;
	[tilespmem:v2+s7+$0x0] =	vst.idx.add.f32.msk $0xffff, v1  }
0x18: {  	v2 =	vld [tilespmem:s10+$0x0];
	_ =	sdelay $0x5  }
0x19: {  	s8 =	sadd.s32 $0x1, s8  }
0x1a: {  	p0 =	sne.s32 s8, s5  }
.Ltmp2:
0x1b: {  	[tilespmem:v2+s7+$0x0] =	vst.idx.add.f32.msk $0xffff, v1;
	(pc) =	sbr.rel @p0 .LBB2_1-.Ltmp2, $4  }
0x1c: {  	[hbm4b:s4+s2] =	stream.linear.scatter [tilespmem:s7], [sflag:$0x1], $0x2800, $0x38;
	[tilespmem:$0x4F80] =	vst v63  }
0x1d: {  	_ =	swait.ge [sflag:s6], $0x2800  }
0x1e: {  	[sflag:s6] =	ssyncset.done $0x0  }
0x1f: {  	[sflag:s6] =	ssyncadd.s32 $0xFFFFD800  }
0x20: {  	_ =	sfence.sel $0x180000  }
0x21: {  	[bflag:$0x0] =	sbarrier.arrive $0xFFFF  }
0x22: {  	p0 =	sne.s32 s0, $0x0;
	_ =	strace $0x90000047  }
0x23: {  	s0 =	sadd.s32 @!p0 $0x100000, s1;
	[bflag:$0x2] =	sbarrier.arrive $0xFFFF  }
0x24: {  	[sflag:s0] =	ssyncadd.tile.s32 @!p0 $0x1;
	_ =	shalt  }
.Lfunc_end2:
_tile_overlayer_lowered:
.L_overlay_start_2:
0x25: {  	(tag) =	ssettag $0x2  }
0x26: {  	s0 =	rddreg [dreg:$0x0];
	s2 =	stileid.u32  }
0x27: {  	s1 =	rddreg [dreg:$0x1];
	p0 =	sne.s32 s2, $0x0  }
0x28: {  	s3 =	rddreg [dreg:$0x2];
	[bflag:$0x3] =	sbarrier.arrive $0xFFFF;
	s2 =	simm.s32 @!p0 $0x1C01  }
0x29: {  	[timem:s3], [sflag:s2] =	dma.local @!p0 [hbm:s0], s1  }
0x2a: {  	s0 =	simm.s32 @!p0 $0x1  }
0x2b: {  	_ =	swait.ge @!p0 [sflag:s0], s1  }
0x2c: {  	s1 =	ssub.s32 @!p0 $0x0, s1;
	[sflag:s0] =	ssyncset.done @!p0 $0x0  }
0x2d: {  	[sflag:s0] =	ssyncadd.s32 @!p0 s1  }
0x2e: {  	[bflag:$0x3] =	sbarrier.arrive $0xFFFF  }
0x2f: {  	_ =	shalt  }

</sc_bundles>
